<compile_context>
chip_gen: v7x
topology: tpu7x:2x2x1
jax: 0.10.2.dev20260603
libtpu: 0.0.44.dev20260713+nightly
codegen_flags: <defaults>
</compile_context>

<pallas_src>
import functools

import jax
import jax.numpy as jnp
from jax import lax
from jax.experimental import pallas as pl
from jax.experimental.pallas import tpu as pltpu
from jax.experimental.pallas import tpu_sc as plsc

N = 10000
D = 128
E = 320000
NC, NS, LN = 2, 16, 16
CHUNK = 64
CPW = 160
EPW = CHUNK * CPW
E_PAD = NC * NS * EPW
RPS = 632
ACC_ROWS = NS * RPS
RB = 1000
GRID = N // RB

_mesh = plsc.VectorSubcoreMesh(
    core_axis_name="c", subcore_axis_name="s", num_cores=NC, num_subcores=NS
)


def _deg_body(dsts_hbm, zeros_hbm, out_hbm, dst_v, ones_v, accd, sem):
    c = lax.axis_index("c")
    s = lax.axis_index("s")
    pltpu.sync_copy(dsts_hbm.at[c, s], dst_v)

    def fill(i, carry):
        ones_v[i] = jnp.full((LN,), 1.0, jnp.float32)
        return carry

    lax.fori_loop(0, CHUNK, fill, 0)
    base = s * RPS
    pltpu.sync_copy(zeros_hbm, accd.at[pl.ds(base, RPS)])
    plsc.subcore_barrier()

    def step(i, carry):
        pltpu.sync_copy(ones_v, accd.at[dst_v.at[i]], add=True)
        return carry

    lax.fori_loop(0, CPW, step, 0)
    plsc.subcore_barrier()
    pltpu.sync_copy(accd.at[pl.ds(base, RPS)], out_hbm.at[c, pl.ds(base, RPS)])


_deg = functools.partial(
    pl.kernel,
    out_type=jax.ShapeDtypeStruct((NC, ACC_ROWS, LN), jnp.float32),
    mesh=_mesh,
    scratch_types=[
        pltpu.VMEM((CPW, CHUNK), jnp.int32),
        pltpu.VMEM((CHUNK, LN), jnp.float32),
        pltpu.VMEM_SHARED((ACC_ROWS, LN), jnp.float32),
        pltpu.SemaphoreType.DMA,
    ],
)(_deg_body)


def _msg_body(
    u_hbm, srcs_hbm, dsts_hbm, zeros_hbm, out_hbm,
    src_v, dst_v, rows, acc, sem,
):
    c = lax.axis_index("c")
    s = lax.axis_index("s")
    pltpu.sync_copy(srcs_hbm.at[c, s], src_v)
    pltpu.sync_copy(dsts_hbm.at[c, s], dst_v)
    base = s * RPS
    pltpu.sync_copy(zeros_hbm, acc.at[pl.ds(base, RPS)])
    plsc.subcore_barrier()

    def step(j, carry):
        pltpu.async_copy(u_hbm.at[src_v.at[j]], rows, sem).wait()
        pltpu.sync_copy(rows, acc.at[dst_v.at[j]], add=True)
        return carry

    lax.fori_loop(0, CPW, step, 0)
    plsc.subcore_barrier()
    pltpu.sync_copy(acc.at[pl.ds(base, RPS)], out_hbm.at[c, pl.ds(base, RPS)])


_msg = functools.partial(
    pl.kernel,
    out_type=jax.ShapeDtypeStruct((NC, ACC_ROWS, D), jnp.float32),
    mesh=_mesh,
    scratch_types=[
        pltpu.VMEM((CPW, CHUNK), jnp.int32),
        pltpu.VMEM((CPW, CHUNK), jnp.int32),
        pltpu.VMEM((CHUNK, D), jnp.float32),
        pltpu.VMEM_SHARED((ACC_ROWS, D), jnp.float32),
        pltpu.SemaphoreType.DMA,
    ],
)(_msg_body)


def _tc_first_body(deg_ref, x_ref, w_ref, u_ref, dinv_ref):
    deg = jnp.sum(deg_ref[0] + deg_ref[1], axis=1, keepdims=True) * (1.0 / LN)
    dinv = jax.lax.rsqrt(deg + 1.0)
    dinv = jnp.broadcast_to(dinv, (RB, D))
    z = jnp.dot(x_ref[...], w_ref[...], preferred_element_type=jnp.float32)
    u_ref[...] = z * dinv
    dinv_ref[...] = dinv


def _tc_first(degs, x, w):
    return pl.pallas_call(
        _tc_first_body,
        grid=(GRID,),
        in_specs=[
            pl.BlockSpec((NC, RB, LN), lambda i: (0, i, 0)),
            pl.BlockSpec((RB, D), lambda i: (i, 0)),
            pl.BlockSpec((D, D), lambda i: (0, 0)),
        ],
        out_specs=[
            pl.BlockSpec((RB, D), lambda i: (i, 0)),
            pl.BlockSpec((RB, D), lambda i: (i, 0)),
        ],
        out_shape=[
            jax.ShapeDtypeStruct((N, D), jnp.float32),
            jax.ShapeDtypeStruct((N, D), jnp.float32),
        ],
    )(degs, x, w)


def _tc_mid_body(p_ref, u_ref, dinv_ref, b_ref, w_ref, o_ref):
    t = dinv_ref[...] * (p_ref[0] + p_ref[1] + u_ref[...]) + b_ref[...][0:1]
    t = jnp.maximum(t, 0.0)
    o_ref[...] = (
        jnp.dot(t, w_ref[...], preferred_element_type=jnp.float32) * dinv_ref[...]
    )


def _tc_mid(p, u, dinv2d, b2d, w):
    return pl.pallas_call(
        _tc_mid_body,
        grid=(GRID,),
        in_specs=[
            pl.BlockSpec((NC, RB, D), lambda i: (0, i, 0)),
            pl.BlockSpec((RB, D), lambda i: (i, 0)),
            pl.BlockSpec((RB, D), lambda i: (i, 0)),
            pl.BlockSpec((8, D), lambda i: (0, 0)),
            pl.BlockSpec((D, D), lambda i: (0, 0)),
        ],
        out_specs=pl.BlockSpec((RB, D), lambda i: (i, 0)),
        out_shape=jax.ShapeDtypeStruct((N, D), jnp.float32),
    )(p, u, dinv2d, b2d, w)


def _tc_final_body(p_ref, u_ref, dinv_ref, b_ref, o_ref):
    o_ref[...] = (
        dinv_ref[...] * (p_ref[0] + p_ref[1] + u_ref[...]) + b_ref[...][0:1]
    )


def _tc_final(p, u, dinv2d, b2d):
    return pl.pallas_call(
        _tc_final_body,
        grid=(GRID,),
        in_specs=[
            pl.BlockSpec((NC, RB, D), lambda i: (0, i, 0)),
            pl.BlockSpec((RB, D), lambda i: (i, 0)),
            pl.BlockSpec((RB, D), lambda i: (i, 0)),
            pl.BlockSpec((8, D), lambda i: (0, 0)),
        ],
        out_specs=pl.BlockSpec((RB, D), lambda i: (i, 0)),
        out_shape=jax.ShapeDtypeStruct((N, D), jnp.float32),
    )(p, u, dinv2d, b2d)


def _b2d(b):
    return jnp.broadcast_to(b.reshape(1, D), (8, D))


def kernel(x, edge_index, W0, b0, W1, b1, W2, b2):
    src = edge_index[0].astype(jnp.int32)
    dst = edge_index[1].astype(jnp.int32)
    pad = E_PAD - E
    pad_ar = jnp.arange(pad, dtype=jnp.int32)
    srcs = jnp.concatenate([src, pad_ar % N])
    dsts = jnp.concatenate([dst, N + pad_ar % (ACC_ROWS - N)])
    srcs = srcs.reshape(NC, NS, CPW, CHUNK)
    dsts32 = dsts.reshape(NC, NS, CPW, CHUNK)
    dsts = dsts32
    zeros_d = jnp.zeros((RPS, LN), jnp.float32)
    zeros_m = jnp.zeros((RPS, D), jnp.float32)

    degs = _deg(dsts32, zeros_d)
    u0, dinv2d = _tc_first(degs, x, W0)
    p = _msg(u0, srcs, dsts, zeros_m)
    u1 = _tc_mid(p, u0, dinv2d, _b2d(b0), W1)
    p = _msg(u1, srcs, dsts, zeros_m)
    u2 = _tc_mid(p, u1, dinv2d, _b2d(b1), W2)
    p = _msg(u2, srcs, dsts, zeros_m)
    return _tc_final(p, u2, dinv2d, _b2d(b2))

# --- scband reference (transcript-rebuilt; emitter-appended) ---
"""Pipeline reference for scband-net-90924457656719 (READ-ONLY COPY).

The authoritative reference and input builder live on the scoring server;
editing this copy changes nothing except your own understanding.
"""

import jax, jax.numpy as jnp
import numpy as np

N_NODES = 10000
D_IN = 128
D_HID = 128
D_OUT = 128
N_EDGES = 320000
NUM_LAYERS = 3


def _gcn_conv(x, src, dst, W, b):
    n = x.shape[0]
    # add self loops (standard GCNConv behavior)
    loop = jnp.arange(n, dtype=src.dtype)
    s = jnp.concatenate([src, loop])
    d = jnp.concatenate([dst, loop])
    # symmetric degree normalization D^{-1/2} A D^{-1/2}
    deg = jnp.zeros((n,), dtype=x.dtype).at[d].add(1.0)
    dinv = jnp.where(deg > 0, jax.lax.rsqrt(deg), 0.0)
    norm = dinv[s] * dinv[d]
    # linear transform then propagate (gather -> scale -> scatter-add)
    h = x @ W
    msg = h[s] * norm[:, None]
    out = jnp.zeros((n, h.shape[1]), dtype=h.dtype).at[d].add(msg)
    return out + b


def setup_inputs(seed: int = 0) -> dict:
    key = jax.random.key(seed)
    ks = jax.random.split(key, 8)
    x = jax.random.normal(ks[0], (N_NODES, D_IN), dtype=jnp.float32)
    edge_index = jax.random.randint(ks[1], (2, N_EDGES), 0, N_NODES, dtype=jnp.int64)
    dims = [(D_IN, D_HID), (D_HID, D_HID), (D_HID, D_OUT)]
    params = {}
    for i, (di, do) in enumerate(dims):
        params[f"W{i}"] = jax.random.normal(ks[2 + 2 * i], (di, do), dtype=jnp.float32) * (1.0 / np.sqrt(di))
        params[f"b{i}"] = jnp.zeros((do,), dtype=jnp.float32)
    return {"x": x, "edge_index": edge_index, **params}


def reference(x, edge_index, W0, b0, W1, b1, W2, b2):
    src = edge_index[0]
    dst = edge_index[1]
    Ws = [W0, W1, W2]
    bs = [b0, b1, b2]
    h = x
    for i in range(NUM_LAYERS):
        h = _gcn_conv(h, src, dst, Ws[i], bs[i])
        if i != NUM_LAYERS - 1:
            h = jax.nn.relu(h)
    return h

if __name__ == "__main__":
    import jax
    _d = setup_inputs()
    print(jax.jit(kernel)(*tuple(_d.values())))

</pallas_src>

<mosaic_0001>
#map = affine_map<(d0, d1) -> (0, 0, 0, 0)>
#map1 = affine_map<(d0, d1) -> (0, 0)>
#map2 = affine_map<(d0, d1) -> (0, 0, 0)>
module attributes {stable_mosaic.version = 14 : i64} {
  func.func @_deg_body(%arg0: i32, %arg1: i32, %arg2: memref<2x16x160x64xi32, #tpu.memory_space<hbm>>, %arg3: memref<632x16xf32, #tpu.memory_space<hbm>>, %arg4: memref<2x10112x16xf32, #tpu.memory_space<hbm>>, %arg5: memref<160x64xi32, #tpu.memory_space<vmem>>, %arg6: memref<64x16xf32, #tpu.memory_space<vmem>>, %arg7: memref<10112x16xf32, #tpu.memory_space<vmem_shared>>, %arg8: memref<!tpu.dma_semaphore, #tpu.memory_space<semaphore_mem>>) attributes {dimension_semantics = [#tpu.dimension_semantics<core_parallel>, #tpu.dimension_semantics<subcore_parallel>], iteration_bounds = array<i64: 2, 16>, scalar_prefetch = 0 : i64, scratch_operands = 4 : i64, tpu.core_type = #tpu.core_type<sc_vector_subcore>, window_params = [{transform_indices = #map}, {transform_indices = #map1}, {transform_indices = #map2}]} {
    "tpu.region"() ({
      %run_scoped3A = tpu.sem_alloc : memref<!tpu.dma_semaphore, #tpu.memory_space<semaphore_mem>>
      %dma_start3A = arith.constant 0 : i32
      %dma_start3A_13 = arith.constant 0 : i32
      %dma_start3A_14 = tpu.memref_slice %arg2[%arg0, %arg1, %dma_start3A, %dma_start3A_13] : memref<2x16x160x64xi32, #tpu.memory_space<hbm>> -> memref<1x1x160x64xi32, #tpu.memory_space<hbm>>
      %dma_start3A_15 = tpu.memref_squeeze %dma_start3A_14 : memref<1x1x160x64xi32, #tpu.memory_space<hbm>> -> memref<160x64xi32, #tpu.memory_space<hbm>>
      %dma_start3A_16 = arith.constant 0 : i32
      %dma_start3A_17 = arith.constant 0 : i32
      %dma_start3A_18 = tpu.memref_slice %arg2[%arg0, %arg1, %dma_start3A_16, %dma_start3A_17] : memref<2x16x160x64xi32, #tpu.memory_space<hbm>> -> memref<1x1x160x64xi32, #tpu.memory_space<hbm>>
      %dma_start3A_19 = tpu.memref_squeeze %dma_start3A_18 : memref<1x1x160x64xi32, #tpu.memory_space<hbm>> -> memref<160x64xi32, #tpu.memory_space<hbm>>
      tpu.enqueue_dma source(%dma_start3A_19 : memref<160x64xi32, #tpu.memory_space<hbm>>) target(%arg5 : memref<160x64xi32, #tpu.memory_space<vmem>>) target_semaphore(%run_scoped3A : memref<!tpu.dma_semaphore, #tpu.memory_space<semaphore_mem>>)
      %dma_wait3A = arith.constant 0 : i32
      %dma_wait3A_20 = arith.constant 0 : i32
      %dma_wait3A_21 = tpu.memref_slice %arg2[%arg0, %arg1, %dma_wait3A, %dma_wait3A_20] : memref<2x16x160x64xi32, #tpu.memory_space<hbm>> -> memref<1x1x160x64xi32, #tpu.memory_space<hbm>>
      %dma_wait3A_22 = tpu.memref_squeeze %dma_wait3A_21 : memref<1x1x160x64xi32, #tpu.memory_space<hbm>> -> memref<160x64xi32, #tpu.memory_space<hbm>>
      %dma_wait3A_23 = arith.constant 0 : i32
      %dma_wait3A_24 = arith.constant 0 : i32
      %dma_wait3A_25 = tpu.memref_slice %arg2[%arg0, %arg1, %dma_wait3A_23, %dma_wait3A_24] : memref<2x16x160x64xi32, #tpu.memory_space<hbm>> -> memref<1x1x160x64xi32, #tpu.memory_space<hbm>>
      %dma_wait3A_26 = tpu.memref_squeeze %dma_wait3A_25 : memref<1x1x160x64xi32, #tpu.memory_space<hbm>> -> memref<160x64xi32, #tpu.memory_space<hbm>>
      tpu.wait_dma2 semaphore(%run_scoped3A : memref<!tpu.dma_semaphore, #tpu.memory_space<semaphore_mem>>) src(%dma_wait3A_26 : memref<160x64xi32, #tpu.memory_space<hbm>>) dst(%arg5 : memref<160x64xi32, #tpu.memory_space<vmem>>)
      tpu.yield
    }) : () -> ()
    %scan3A = arith.constant 0 : i32
    %scan3A_0 = arith.constant 0 : i32
    %scan3A_1 = arith.constant 64 : i32
    %scan3A_2 = arith.addi %scan3A_0, %scan3A_1 : i32
    %scan3A_3 = arith.constant 1 : i32
    scf.for %scan3A_13 = %scan3A_0 to %scan3A_2 step %scan3A_3  : i32 {
      %broadcast_in_dim3A = arith.constant 1.000000e+00 : f32
      %broadcast_in_dim3A_14 = vector.broadcast %broadcast_in_dim3A : f32 to vector<16xf32>
      %swap3A = arith.index_cast %scan3A_13 : i32 to index
      %swap3A_15 = arith.constant 0 : index
      %swap3A_16 = tpu.vector_load %arg6[%swap3A, %swap3A_15] {strides = array<i32>} : memref<64x16xf32, #tpu.memory_space<vmem>>, vector<1x16xf32>,
      %swap3A_17 = vector.shape_cast %swap3A_16 : vector<1x16xf32> to vector<16xf32>
      %swap3A_18 = vector.shape_cast %broadcast_in_dim3A_14 : vector<16xf32> to vector<1x16xf32>
      tpu.vector_store %arg6[%swap3A, %swap3A_15], %swap3A_18 {strides = array<i32>} : memref<64x16xf32, #tpu.memory_space<vmem>>, vector<1x16xf32>,
    }
    %scan3A_4 = arith.constant 64 : i32
    %mul3A = arith.constant 632 : i32
    %mul3A_5 = arith.muli %arg1, %mul3A : i32
    "tpu.region"() ({
      %run_scoped3A = tpu.sem_alloc : memref<!tpu.dma_semaphore, #tpu.memory_space<semaphore_mem>>
      %dma_start3A = arith.constant 0 : i32
      %dma_start3A_13 = tpu.memref_slice %arg7[%mul3A_5, %dma_start3A] : memref<10112x16xf32, #tpu.memory_space<vmem_shared>> -> memref<632x16xf32, #tpu.memory_space<vmem_shared>>
      tpu.enqueue_dma source(%arg3 : memref<632x16xf32, #tpu.memory_space<hbm>>) target(%dma_start3A_13 : memref<632x16xf32, #tpu.memory_space<vmem_shared>>) target_semaphore(%run_scoped3A : memref<!tpu.dma_semaphore, #tpu.memory_space<semaphore_mem>>)
      %dma_wait3A = arith.constant 0 : i32
      %dma_wait3A_14 = tpu.memref_slice %arg7[%mul3A_5, %dma_wait3A] : memref<10112x16xf32, #tpu.memory_space<vmem_shared>> -> memref<632x16xf32, #tpu.memory_space<vmem_shared>>
      tpu.wait_dma2 semaphore(%run_scoped3A : memref<!tpu.dma_semaphore, #tpu.memory_space<semaphore_mem>>) src(%arg3 : memref<632x16xf32, #tpu.memory_space<hbm>>) dst(%dma_wait3A_14 : memref<632x16xf32, #tpu.memory_space<vmem_shared>>)
      tpu.yield
    }) : () -> ()
    %barrier3A = arith.constant 0 : index
    tpu.barrier barrier_id(%barrier3A)
    %scan3A_6 = arith.constant 0 : i32
    %scan3A_7 = arith.constant 0 : i32
    %scan3A_8 = arith.constant 160 : i32
    %scan3A_9 = arith.addi %scan3A_7, %scan3A_8 : i32
    %scan3A_10 = arith.constant 1 : i32
    scf.for %scan3A_13 = %scan3A_7 to %scan3A_9 step %scan3A_10  : i32 {
      "tpu.region"() ({
        %run_scoped3A = tpu.sem_alloc : memref<!tpu.dma_semaphore, #tpu.memory_space<semaphore_mem>>
        %dma_start3A = arith.constant 0 : i32
        %dma_start3A_14 = tpu.memref_slice %arg5[%scan3A_13, %dma_start3A] : memref<160x64xi32, #tpu.memory_space<vmem>> -> memref<1x64xi32, #tpu.memory_space<vmem>>
        %dma_start3A_15 = tpu.memref_squeeze %dma_start3A_14 : memref<1x64xi32, #tpu.memory_space<vmem>> -> memref<64xi32, #tpu.memory_space<vmem>>
        %dma_start3A_16 = arith.constant 0 : i32
        %dma_start3A_17 = arith.constant 0 : i32
        %dma_start3A_18 = tpu.memref_slice %arg7[%dma_start3A_16, %dma_start3A_17] : memref<10112x16xf32, #tpu.memory_space<vmem_shared>> -> memref<10112x16xf32, #tpu.memory_space<vmem_shared>>
        tpu.enqueue_indirect_dma source(%arg6 : memref<64x16xf32, #tpu.memory_space<vmem>>) target(%dma_start3A_18 : memref<10112x16xf32, #tpu.memory_space<vmem_shared>>) offsets(%dma_start3A_15 : memref<64xi32, #tpu.memory_space<vmem>>) semaphore(%run_scoped3A : memref<!tpu.dma_semaphore, #tpu.memory_space<semaphore_mem>>) {add = true}
        %dma_wait3A = arith.constant 0 : i32
        %dma_wait3A_19 = tpu.memref_slice %arg5[%scan3A_13, %dma_wait3A] : memref<160x64xi32, #tpu.memory_space<vmem>> -> memref<1x64xi32, #tpu.memory_space<vmem>>
        %dma_wait3A_20 = tpu.memref_squeeze %dma_wait3A_19 : memref<1x64xi32, #tpu.memory_space<vmem>> -> memref<64xi32, #tpu.memory_space<vmem>>
        %dma_wait3A_21 = arith.constant 0 : i32
        %dma_wait3A_22 = arith.constant 0 : i32
        %dma_wait3A_23 = tpu.memref_slice %arg7[%dma_wait3A_21, %dma_wait3A_22] : memref<10112x16xf32, #tpu.memory_space<vmem_shared>> -> memref<10112x16xf32, #tpu.memory_space<vmem_shared>>
        tpu.wait_indirect_dma semaphore(%run_scoped3A : memref<!tpu.dma_semaphore, #tpu.memory_space<semaphore_mem>>) src(%arg6 : memref<64x16xf32, #tpu.memory_space<vmem>>) dst(%dma_wait3A_23 : memref<10112x16xf32, #tpu.memory_space<vmem_shared>>)
        tpu.yield
      }) : () -> ()
    }
    %scan3A_11 = arith.constant 160 : i32
    %barrier3A_12 = arith.constant 0 : index
    tpu.barrier barrier_id(%barrier3A_12)
    "tpu.region"() ({
      %run_scoped3A = tpu.sem_alloc : memref<!tpu.dma_semaphore, #tpu.memory_space<semaphore_mem>>
      %dma_start3A = arith.constant 0 : i32
      %dma_start3A_13 = tpu.memref_slice %arg4[%arg0, %mul3A_5, %dma_start3A] : memref<2x10112x16xf32, #tpu.memory_space<hbm>> -> memref<1x632x16xf32, #tpu.memory_space<hbm>>
      %dma_start3A_14 = tpu.memref_squeeze %dma_start3A_13 : memref<1x632x16xf32, #tpu.memory_space<hbm>> -> memref<632x16xf32, #tpu.memory_space<hbm>>
      %dma_start3A_15 = arith.constant 0 : i32
      %dma_start3A_16 = tpu.memref_slice %arg7[%mul3A_5, %dma_start3A_15] : memref<10112x16xf32, #tpu.memory_space<vmem_shared>> -> memref<632x16xf32, #tpu.memory_space<vmem_shared>>
      tpu.enqueue_dma source(%dma_start3A_16 : memref<632x16xf32, #tpu.memory_space<vmem_shared>>) target(%dma_start3A_14 : memref<632x16xf32, #tpu.memory_space<hbm>>) target_semaphore(%run_scoped3A : memref<!tpu.dma_semaphore, #tpu.memory_space<semaphore_mem>>)
      %dma_wait3A = arith.constant 0 : i32
      %dma_wait3A_17 = tpu.memref_slice %arg4[%arg0, %mul3A_5, %dma_wait3A] : memref<2x10112x16xf32, #tpu.memory_space<hbm>> -> memref<1x632x16xf32, #tpu.memory_space<hbm>>
      %dma_wait3A_18 = tpu.memref_squeeze %dma_wait3A_17 : memref<1x632x16xf32, #tpu.memory_space<hbm>> -> memref<632x16xf32, #tpu.memory_space<hbm>>
      %dma_wait3A_19 = arith.constant 0 : i32
      %dma_wait3A_20 = tpu.memref_slice %arg7[%mul3A_5, %dma_wait3A_19] : memref<10112x16xf32, #tpu.memory_space<vmem_shared>> -> memref<632x16xf32, #tpu.memory_space<vmem_shared>>
      tpu.wait_dma2 semaphore(%run_scoped3A : memref<!tpu.dma_semaphore, #tpu.memory_space<semaphore_mem>>) src(%dma_wait3A_20 : memref<632x16xf32, #tpu.memory_space<vmem_shared>>) dst(%dma_wait3A_18 : memref<632x16xf32, #tpu.memory_space<hbm>>)
      tpu.yield
    }) : () -> ()
    return
  }
}

#map = affine_map<(d0, d1) -> (0, 0)>
#map1 = affine_map<(d0, d1) -> (0, 0, 0, 0)>
#map2 = affine_map<(d0, d1) -> (0, 0, 0)>
module attributes {stable_mosaic.version = 14 : i64} {
  func.func @_msg_body(%arg0: i32, %arg1: i32, %arg2: memref<10000x128xf32, #tpu.memory_space<hbm>>, %arg3: memref<2x16x160x64xi32, #tpu.memory_space<hbm>>, %arg4: memref<2x16x160x64xi32, #tpu.memory_space<hbm>>, %arg5: memref<632x128xf32, #tpu.memory_space<hbm>>, %arg6: memref<2x10112x128xf32, #tpu.memory_space<hbm>>, %arg7: memref<160x64xi32, #tpu.memory_space<vmem>>, %arg8: memref<160x64xi32, #tpu.memory_space<vmem>>, %arg9: memref<64x128xf32, #tpu.memory_space<vmem>>, %arg10: memref<10112x128xf32, #tpu.memory_space<vmem_shared>>, %arg11: memref<!tpu.dma_semaphore, #tpu.memory_space<semaphore_mem>>) attributes {dimension_semantics = [#tpu.dimension_semantics<core_parallel>, #tpu.dimension_semantics<subcore_parallel>], iteration_bounds = array<i64: 2, 16>, scalar_prefetch = 0 : i64, scratch_operands = 5 : i64, tpu.core_type = #tpu.core_type<sc_vector_subcore>, window_params = [{transform_indices = #map}, {transform_indices = #map1}, {transform_indices = #map1}, {transform_indices = #map}, {transform_indices = #map2}]} {
    "tpu.region"() ({
      %run_scoped3A = tpu.sem_alloc : memref<!tpu.dma_semaphore, #tpu.memory_space<semaphore_mem>>
      %dma_start3A = arith.constant 0 : i32
      %dma_start3A_7 = arith.constant 0 : i32
      %dma_start3A_8 = tpu.memref_slice %arg3[%arg0, %arg1, %dma_start3A, %dma_start3A_7] : memref<2x16x160x64xi32, #tpu.memory_space<hbm>> -> memref<1x1x160x64xi32, #tpu.memory_space<hbm>>
      %dma_start3A_9 = tpu.memref_squeeze %dma_start3A_8 : memref<1x1x160x64xi32, #tpu.memory_space<hbm>> -> memref<160x64xi32, #tpu.memory_space<hbm>>
      %dma_start3A_10 = arith.constant 0 : i32
      %dma_start3A_11 = arith.constant 0 : i32
      %dma_start3A_12 = tpu.memref_slice %arg3[%arg0, %arg1, %dma_start3A_10, %dma_start3A_11] : memref<2x16x160x64xi32, #tpu.memory_space<hbm>> -> memref<1x1x160x64xi32, #tpu.memory_space<hbm>>
      %dma_start3A_13 = tpu.memref_squeeze %dma_start3A_12 : memref<1x1x160x64xi32, #tpu.memory_space<hbm>> -> memref<160x64xi32, #tpu.memory_space<hbm>>
      tpu.enqueue_dma source(%dma_start3A_13 : memref<160x64xi32, #tpu.memory_space<hbm>>) target(%arg7 : memref<160x64xi32, #tpu.memory_space<vmem>>) target_semaphore(%run_scoped3A : memref<!tpu.dma_semaphore, #tpu.memory_space<semaphore_mem>>)
      %dma_wait3A = arith.constant 0 : i32
      %dma_wait3A_14 = arith.constant 0 : i32
      %dma_wait3A_15 = tpu.memref_slice %arg3[%arg0, %arg1, %dma_wait3A, %dma_wait3A_14] : memref<2x16x160x64xi32, #tpu.memory_space<hbm>> -> memref<1x1x160x64xi32, #tpu.memory_space<hbm>>
      %dma_wait3A_16 = tpu.memref_squeeze %dma_wait3A_15 : memref<1x1x160x64xi32, #tpu.memory_space<hbm>> -> memref<160x64xi32, #tpu.memory_space<hbm>>
      %dma_wait3A_17 = arith.constant 0 : i32
      %dma_wait3A_18 = arith.constant 0 : i32
      %dma_wait3A_19 = tpu.memref_slice %arg3[%arg0, %arg1, %dma_wait3A_17, %dma_wait3A_18] : memref<2x16x160x64xi32, #tpu.memory_space<hbm>> -> memref<1x1x160x64xi32, #tpu.memory_space<hbm>>
      %dma_wait3A_20 = tpu.memref_squeeze %dma_wait3A_19 : memref<1x1x160x64xi32, #tpu.memory_space<hbm>> -> memref<160x64xi32, #tpu.memory_space<hbm>>
      tpu.wait_dma2 semaphore(%run_scoped3A : memref<!tpu.dma_semaphore, #tpu.memory_space<semaphore_mem>>) src(%dma_wait3A_20 : memref<160x64xi32, #tpu.memory_space<hbm>>) dst(%arg7 : memref<160x64xi32, #tpu.memory_space<vmem>>)
      tpu.yield
    }) : () -> ()
    "tpu.region"() ({
      %run_scoped3A = tpu.sem_alloc : memref<!tpu.dma_semaphore, #tpu.memory_space<semaphore_mem>>
      %dma_start3A = arith.constant 0 : i32
      %dma_start3A_7 = arith.constant 0 : i32
      %dma_start3A_8 = tpu.memref_slice %arg4[%arg0, %arg1, %dma_start3A, %dma_start3A_7] : memref<2x16x160x64xi32, #tpu.memory_space<hbm>> -> memref<1x1x160x64xi32, #tpu.memory_space<hbm>>
      %dma_start3A_9 = tpu.memref_squeeze %dma_start3A_8 : memref<1x1x160x64xi32, #tpu.memory_space<hbm>> -> memref<160x64xi32, #tpu.memory_space<hbm>>
      %dma_start3A_10 = arith.constant 0 : i32
      %dma_start3A_11 = arith.constant 0 : i32
      %dma_start3A_12 = tpu.memref_slice %arg4[%arg0, %arg1, %dma_start3A_10, %dma_start3A_11] : memref<2x16x160x64xi32, #tpu.memory_space<hbm>> -> memref<1x1x160x64xi32, #tpu.memory_space<hbm>>
      %dma_start3A_13 = tpu.memref_squeeze %dma_start3A_12 : memref<1x1x160x64xi32, #tpu.memory_space<hbm>> -> memref<160x64xi32, #tpu.memory_space<hbm>>
      tpu.enqueue_dma source(%dma_start3A_13 : memref<160x64xi32, #tpu.memory_space<hbm>>) target(%arg8 : memref<160x64xi32, #tpu.memory_space<vmem>>) target_semaphore(%run_scoped3A : memref<!tpu.dma_semaphore, #tpu.memory_space<semaphore_mem>>)
      %dma_wait3A = arith.constant 0 : i32
      %dma_wait3A_14 = arith.constant 0 : i32
      %dma_wait3A_15 = tpu.memref_slice %arg4[%arg0, %arg1, %dma_wait3A, %dma_wait3A_14] : memref<2x16x160x64xi32, #tpu.memory_space<hbm>> -> memref<1x1x160x64xi32, #tpu.memory_space<hbm>>
      %dma_wait3A_16 = tpu.memref_squeeze %dma_wait3A_15 : memref<1x1x160x64xi32, #tpu.memory_space<hbm>> -> memref<160x64xi32, #tpu.memory_space<hbm>>
      %dma_wait3A_17 = arith.constant 0 : i32
      %dma_wait3A_18 = arith.constant 0 : i32
      %dma_wait3A_19 = tpu.memref_slice %arg4[%arg0, %arg1, %dma_wait3A_17, %dma_wait3A_18] : memref<2x16x160x64xi32, #tpu.memory_space<hbm>> -> memref<1x1x160x64xi32, #tpu.memory_space<hbm>>
      %dma_wait3A_20 = tpu.memref_squeeze %dma_wait3A_19 : memref<1x1x160x64xi32, #tpu.memory_space<hbm>> -> memref<160x64xi32, #tpu.memory_space<hbm>>
      tpu.wait_dma2 semaphore(%run_scoped3A : memref<!tpu.dma_semaphore, #tpu.memory_space<semaphore_mem>>) src(%dma_wait3A_20 : memref<160x64xi32, #tpu.memory_space<hbm>>) dst(%arg8 : memref<160x64xi32, #tpu.memory_space<vmem>>)
      tpu.yield
    }) : () -> ()
    %mul3A = arith.constant 632 : i32
    %mul3A_0 = arith.muli %arg1, %mul3A : i32
    "tpu.region"() ({
      %run_scoped3A = tpu.sem_alloc : memref<!tpu.dma_semaphore, #tpu.memory_space<semaphore_mem>>
      %dma_start3A = arith.constant 0 : i32
      %dma_start3A_7 = tpu.memref_slice %arg10[%mul3A_0, %dma_start3A] : memref<10112x128xf32, #tpu.memory_space<vmem_shared>> -> memref<632x128xf32, #tpu.memory_space<vmem_shared>>
      tpu.enqueue_dma source(%arg5 : memref<632x128xf32, #tpu.memory_space<hbm>>) target(%dma_start3A_7 : memref<632x128xf32, #tpu.memory_space<vmem_shared>>) target_semaphore(%run_scoped3A : memref<!tpu.dma_semaphore, #tpu.memory_space<semaphore_mem>>)
      %dma_wait3A = arith.constant 0 : i32
      %dma_wait3A_8 = tpu.memref_slice %arg10[%mul3A_0, %dma_wait3A] : memref<10112x128xf32, #tpu.memory_space<vmem_shared>> -> memref<632x128xf32, #tpu.memory_space<vmem_shared>>
      tpu.wait_dma2 semaphore(%run_scoped3A : memref<!tpu.dma_semaphore, #tpu.memory_space<semaphore_mem>>) src(%arg5 : memref<632x128xf32, #tpu.memory_space<hbm>>) dst(%dma_wait3A_8 : memref<632x128xf32, #tpu.memory_space<vmem_shared>>)
      tpu.yield
    }) : () -> ()
    %barrier3A = arith.constant 0 : index
    tpu.barrier barrier_id(%barrier3A)
    %scan3A = arith.constant 0 : i32
    %scan3A_1 = arith.constant 0 : i32
    %scan3A_2 = arith.constant 160 : i32
    %scan3A_3 = arith.addi %scan3A_1, %scan3A_2 : i32
    %scan3A_4 = arith.constant 1 : i32
    scf.for %scan3A_7 = %scan3A_1 to %scan3A_3 step %scan3A_4  : i32 {
      %dma_start3A = arith.constant 0 : i32
      %dma_start3A_8 = tpu.memref_slice %arg7[%scan3A_7, %dma_start3A] : memref<160x64xi32, #tpu.memory_space<vmem>> -> memref<1x64xi32, #tpu.memory_space<vmem>>
      %dma_start3A_9 = tpu.memref_squeeze %dma_start3A_8 : memref<1x64xi32, #tpu.memory_space<vmem>> -> memref<64xi32, #tpu.memory_space<vmem>>
      %dma_start3A_10 = arith.constant 0 : i32
      %dma_start3A_11 = arith.constant 0 : i32
      %dma_start3A_12 = tpu.memref_slice %arg2[%dma_start3A_10, %dma_start3A_11] : memref<10000x128xf32, #tpu.memory_space<hbm>> -> memref<10000x128xf32, #tpu.memory_space<hbm>>
      tpu.enqueue_indirect_dma source(%dma_start3A_12 : memref<10000x128xf32, #tpu.memory_space<hbm>>) target(%arg9 : memref<64x128xf32, #tpu.memory_space<vmem>>) offsets(%dma_start3A_9 : memref<64xi32, #tpu.memory_space<vmem>>) semaphore(%arg11 : memref<!tpu.dma_semaphore, #tpu.memory_space<semaphore_mem>>)
      %dma_wait3A = arith.constant 0 : i32
      %dma_wait3A_13 = tpu.memref_slice %arg7[%scan3A_7, %dma_wait3A] : memref<160x64xi32, #tpu.memory_space<vmem>> -> memref<1x64xi32, #tpu.memory_space<vmem>>
      %dma_wait3A_14 = tpu.memref_squeeze %dma_wait3A_13 : memref<1x64xi32, #tpu.memory_space<vmem>> -> memref<64xi32, #tpu.memory_space<vmem>>
      %dma_wait3A_15 = arith.constant 0 : i32
      %dma_wait3A_16 = arith.constant 0 : i32
      %dma_wait3A_17 = tpu.memref_slice %arg2[%dma_wait3A_15, %dma_wait3A_16] : memref<10000x128xf32, #tpu.memory_space<hbm>> -> memref<10000x128xf32, #tpu.memory_space<hbm>>
      tpu.wait_indirect_dma semaphore(%arg11 : memref<!tpu.dma_semaphore, #tpu.memory_space<semaphore_mem>>) src(%dma_wait3A_17 : memref<10000x128xf32, #tpu.memory_space<hbm>>) dst(%arg9 : memref<64x128xf32, #tpu.memory_space<vmem>>)
      "tpu.region"() ({
        %run_scoped3A = tpu.sem_alloc : memref<!tpu.dma_semaphore, #tpu.memory_space<semaphore_mem>>
        %dma_start3A_18 = arith.constant 0 : i32
        %dma_start3A_19 = tpu.memref_slice %arg8[%scan3A_7, %dma_start3A_18] : memref<160x64xi32, #tpu.memory_space<vmem>> -> memref<1x64xi32, #tpu.memory_space<vmem>>
        %dma_start3A_20 = tpu.memref_squeeze %dma_start3A_19 : memref<1x64xi32, #tpu.memory_space<vmem>> -> memref<64xi32, #tpu.memory_space<vmem>>
        %dma_start3A_21 = arith.constant 0 : i32
        %dma_start3A_22 = arith.constant 0 : i32
        %dma_start3A_23 = tpu.memref_slice %arg10[%dma_start3A_21, %dma_start3A_22] : memref<10112x128xf32, #tpu.memory_space<vmem_shared>> -> memref<10112x128xf32, #tpu.memory_space<vmem_shared>>
        tpu.enqueue_indirect_dma source(%arg9 : memref<64x128xf32, #tpu.memory_space<vmem>>) target(%dma_start3A_23 : memref<10112x128xf32, #tpu.memory_space<vmem_shared>>) offsets(%dma_start3A_20 : memref<64xi32, #tpu.memory_space<vmem>>) semaphore(%run_scoped3A : memref<!tpu.dma_semaphore, #tpu.memory_space<semaphore_mem>>) {add = true}
        %dma_wait3A_24 = arith.constant 0 : i32
        %dma_wait3A_25 = tpu.memref_slice %arg8[%scan3A_7, %dma_wait3A_24] : memref<160x64xi32, #tpu.memory_space<vmem>> -> memref<1x64xi32, #tpu.memory_space<vmem>>
        %dma_wait3A_26 = tpu.memref_squeeze %dma_wait3A_25 : memref<1x64xi32, #tpu.memory_space<vmem>> -> memref<64xi32, #tpu.memory_space<vmem>>
        %dma_wait3A_27 = arith.constant 0 : i32
        %dma_wait3A_28 = arith.constant 0 : i32
        %dma_wait3A_29 = tpu.memref_slice %arg10[%dma_wait3A_27, %dma_wait3A_28] : memref<10112x128xf32, #tpu.memory_space<vmem_shared>> -> memref<10112x128xf32, #tpu.memory_space<vmem_shared>>
        tpu.wait_indirect_dma semaphore(%run_scoped3A : memref<!tpu.dma_semaphore, #tpu.memory_space<semaphore_mem>>) src(%arg9 : memref<64x128xf32, #tpu.memory_space<vmem>>) dst(%dma_wait3A_29 : memref<10112x128xf32, #tpu.memory_space<vmem_shared>>)
        tpu.yield
      }) : () -> ()
    }
    %scan3A_5 = arith.constant 160 : i32
    %barrier3A_6 = arith.constant 0 : index
    tpu.barrier barrier_id(%barrier3A_6)
    "tpu.region"() ({
      %run_scoped3A = tpu.sem_alloc : memref<!tpu.dma_semaphore, #tpu.memory_space<semaphore_mem>>
      %dma_start3A = arith.constant 0 : i32
      %dma_start3A_7 = tpu.memref_slice %arg6[%arg0, %mul3A_0, %dma_start3A] : memref<2x10112x128xf32, #tpu.memory_space<hbm>> -> memref<1x632x128xf32, #tpu.memory_space<hbm>>
      %dma_start3A_8 = tpu.memref_squeeze %dma_start3A_7 : memref<1x632x128xf32, #tpu.memory_space<hbm>> -> memref<632x128xf32, #tpu.memory_space<hbm>>
      %dma_start3A_9 = arith.constant 0 : i32
      %dma_start3A_10 = tpu.memref_slice %arg10[%mul3A_0, %dma_start3A_9] : memref<10112x128xf32, #tpu.memory_space<vmem_shared>> -> memref<632x128xf32, #tpu.memory_space<vmem_shared>>
      tpu.enqueue_dma source(%dma_start3A_10 : memref<632x128xf32, #tpu.memory_space<vmem_shared>>) target(%dma_start3A_8 : memref<632x128xf32, #tpu.memory_space<hbm>>) target_semaphore(%run_scoped3A : memref<!tpu.dma_semaphore, #tpu.memory_space<semaphore_mem>>)
      %dma_wait3A = arith.constant 0 : i32
      %dma_wait3A_11 = tpu.memref_slice %arg6[%arg0, %mul3A_0, %dma_wait3A] : memref<2x10112x128xf32, #tpu.memory_space<hbm>> -> memref<1x632x128xf32, #tpu.memory_space<hbm>>
      %dma_wait3A_12 = tpu.memref_squeeze %dma_wait3A_11 : memref<1x632x128xf32, #tpu.memory_space<hbm>> -> memref<632x128xf32, #tpu.memory_space<hbm>>
      %dma_wait3A_13 = arith.constant 0 : i32
      %dma_wait3A_14 = tpu.memref_slice %arg10[%mul3A_0, %dma_wait3A_13] : memref<10112x128xf32, #tpu.memory_space<vmem_shared>> -> memref<632x128xf32, #tpu.memory_space<vmem_shared>>
      tpu.wait_dma2 semaphore(%run_scoped3A : memref<!tpu.dma_semaphore, #tpu.memory_space<semaphore_mem>>) src(%dma_wait3A_14 : memref<632x128xf32, #tpu.memory_space<vmem_shared>>) dst(%dma_wait3A_12 : memref<632x128xf32, #tpu.memory_space<hbm>>)
      tpu.yield
    }) : () -> ()
    return
  }
}

#map = affine_map<(d0, d1) -> (0, 0)>
#map1 = affine_map<(d0, d1) -> (0, 0, 0, 0)>
#map2 = affine_map<(d0, d1) -> (0, 0, 0)>
module attributes {stable_mosaic.version = 14 : i64} {
  func.func @_msg_body(%arg0: i32, %arg1: i32, %arg2: memref<10000x128xf32, #tpu.memory_space<hbm>>, %arg3: memref<2x16x160x64xi32, #tpu.memory_space<hbm>>, %arg4: memref<2x16x160x64xi32, #tpu.memory_space<hbm>>, %arg5: memref<632x128xf32, #tpu.memory_space<hbm>>, %arg6: memref<2x10112x128xf32, #tpu.memory_space<hbm>>, %arg7: memref<160x64xi32, #tpu.memory_space<vmem>>, %arg8: memref<160x64xi32, #tpu.memory_space<vmem>>, %arg9: memref<64x128xf32, #tpu.memory_space<vmem>>, %arg10: memref<10112x128xf32, #tpu.memory_space<vmem_shared>>, %arg11: memref<!tpu.dma_semaphore, #tpu.memory_space<semaphore_mem>>) attributes {dimension_semantics = [#tpu.dimension_semantics<core_parallel>, #tpu.dimension_semantics<subcore_parallel>], iteration_bounds = array<i64: 2, 16>, scalar_prefetch = 0 : i64, scratch_operands = 5 : i64, tpu.core_type = #tpu.core_type<sc_vector_subcore>, window_params = [{transform_indices = #map}, {transform_indices = #map1}, {transform_indices = #map1}, {transform_indices = #map}, {transform_indices = #map2}]} {
    "tpu.region"() ({
      %run_scoped3A = tpu.sem_alloc : memref<!tpu.dma_semaphore, #tpu.memory_space<semaphore_mem>>
      %dma_start3A = arith.constant 0 : i32
      %dma_start3A_7 = arith.constant 0 : i32
      %dma_start3A_8 = tpu.memref_slice %arg3[%arg0, %arg1, %dma_start3A, %dma_start3A_7] : memref<2x16x160x64xi32, #tpu.memory_space<hbm>> -> memref<1x1x160x64xi32, #tpu.memory_space<hbm>>
      %dma_start3A_9 = tpu.memref_squeeze %dma_start3A_8 : memref<1x1x160x64xi32, #tpu.memory_space<hbm>> -> memref<160x64xi32, #tpu.memory_space<hbm>>
      %dma_start3A_10 = arith.constant 0 : i32
      %dma_start3A_11 = arith.constant 0 : i32
      %dma_start3A_12 = tpu.memref_slice %arg3[%arg0, %arg1, %dma_start3A_10, %dma_start3A_11] : memref<2x16x160x64xi32, #tpu.memory_space<hbm>> -> memref<1x1x160x64xi32, #tpu.memory_space<hbm>>
      %dma_start3A_13 = tpu.memref_squeeze %dma_start3A_12 : memref<1x1x160x64xi32, #tpu.memory_space<hbm>> -> memref<160x64xi32, #tpu.memory_space<hbm>>
      tpu.enqueue_dma source(%dma_start3A_13 : memref<160x64xi32, #tpu.memory_space<hbm>>) target(%arg7 : memref<160x64xi32, #tpu.memory_space<vmem>>) target_semaphore(%run_scoped3A : memref<!tpu.dma_semaphore, #tpu.memory_space<semaphore_mem>>)
      %dma_wait3A = arith.constant 0 : i32
      %dma_wait3A_14 = arith.constant 0 : i32
      %dma_wait3A_15 = tpu.memref_slice %arg3[%arg0, %arg1, %dma_wait3A, %dma_wait3A_14] : memref<2x16x160x64xi32, #tpu.memory_space<hbm>> -> memref<1x1x160x64xi32, #tpu.memory_space<hbm>>
      %dma_wait3A_16 = tpu.memref_squeeze %dma_wait3A_15 : memref<1x1x160x64xi32, #tpu.memory_space<hbm>> -> memref<160x64xi32, #tpu.memory_space<hbm>>
      %dma_wait3A_17 = arith.constant 0 : i32
      %dma_wait3A_18 = arith.constant 0 : i32
      %dma_wait3A_19 = tpu.memref_slice %arg3[%arg0, %arg1, %dma_wait3A_17, %dma_wait3A_18] : memref<2x16x160x64xi32, #tpu.memory_space<hbm>> -> memref<1x1x160x64xi32, #tpu.memory_space<hbm>>
      %dma_wait3A_20 = tpu.memref_squeeze %dma_wait3A_19 : memref<1x1x160x64xi32, #tpu.memory_space<hbm>> -> memref<160x64xi32, #tpu.memory_space<hbm>>
      tpu.wait_dma2 semaphore(%run_scoped3A : memref<!tpu.dma_semaphore, #tpu.memory_space<semaphore_mem>>) src(%dma_wait3A_20 : memref<160x64xi32, #tpu.memory_space<hbm>>) dst(%arg7 : memref<160x64xi32, #tpu.memory_space<vmem>>)
      tpu.yield
    }) : () -> ()
    "tpu.region"() ({
      %run_scoped3A = tpu.sem_alloc : memref<!tpu.dma_semaphore, #tpu.memory_space<semaphore_mem>>
      %dma_start3A = arith.constant 0 : i32
      %dma_start3A_7 = arith.constant 0 : i32
      %dma_start3A_8 = tpu.memref_slice %arg4[%arg0, %arg1, %dma_start3A, %dma_start3A_7] : memref<2x16x160x64xi32, #tpu.memory_space<hbm>> -> memref<1x1x160x64xi32, #tpu.memory_space<hbm>>
      %dma_start3A_9 = tpu.memref_squeeze %dma_start3A_8 : memref<1x1x160x64xi32, #tpu.memory_space<hbm>> -> memref<160x64xi32, #tpu.memory_space<hbm>>
      %dma_start3A_10 = arith.constant 0 : i32
      %dma_start3A_11 = arith.constant 0 : i32
      %dma_start3A_12 = tpu.memref_slice %arg4[%arg0, %arg1, %dma_start3A_10, %dma_start3A_11] : memref<2x16x160x64xi32, #tpu.memory_space<hbm>> -> memref<1x1x160x64xi32, #tpu.memory_space<hbm>>
      %dma_start3A_13 = tpu.memref_squeeze %dma_start3A_12 : memref<1x1x160x64xi32, #tpu.memory_space<hbm>> -> memref<160x64xi32, #tpu.memory_space<hbm>>
      tpu.enqueue_dma source(%dma_start3A_13 : memref<160x64xi32, #tpu.memory_space<hbm>>) target(%arg8 : memref<160x64xi32, #tpu.memory_space<vmem>>) target_semaphore(%run_scoped3A : memref<!tpu.dma_semaphore, #tpu.memory_space<semaphore_mem>>)
      %dma_wait3A = arith.constant 0 : i32
      %dma_wait3A_14 = arith.constant 0 : i32
      %dma_wait3A_15 = tpu.memref_slice %arg4[%arg0, %arg1, %dma_wait3A, %dma_wait3A_14] : memref<2x16x160x64xi32, #tpu.memory_space<hbm>> -> memref<1x1x160x64xi32, #tpu.memory_space<hbm>>
      %dma_wait3A_16 = tpu.memref_squeeze %dma_wait3A_15 : memref<1x1x160x64xi32, #tpu.memory_space<hbm>> -> memref<160x64xi32, #tpu.memory_space<hbm>>
      %dma_wait3A_17 = arith.constant 0 : i32
      %dma_wait3A_18 = arith.constant 0 : i32
      %dma_wait3A_19 = tpu.memref_slice %arg4[%arg0, %arg1, %dma_wait3A_17, %dma_wait3A_18] : memref<2x16x160x64xi32, #tpu.memory_space<hbm>> -> memref<1x1x160x64xi32, #tpu.memory_space<hbm>>
      %dma_wait3A_20 = tpu.memref_squeeze %dma_wait3A_19 : memref<1x1x160x64xi32, #tpu.memory_space<hbm>> -> memref<160x64xi32, #tpu.memory_space<hbm>>
      tpu.wait_dma2 semaphore(%run_scoped3A : memref<!tpu.dma_semaphore, #tpu.memory_space<semaphore_mem>>) src(%dma_wait3A_20 : memref<160x64xi32, #tpu.memory_space<hbm>>) dst(%arg8 : memref<160x64xi32, #tpu.memory_space<vmem>>)
      tpu.yield
    }) : () -> ()
    %mul3A = arith.constant 632 : i32
    %mul3A_0 = arith.muli %arg1, %mul3A : i32
    "tpu.region"() ({
      %run_scoped3A = tpu.sem_alloc : memref<!tpu.dma_semaphore, #tpu.memory_space<semaphore_mem>>
      %dma_start3A = arith.constant 0 : i32
      %dma_start3A_7 = tpu.memref_slice %arg10[%mul3A_0, %dma_start3A] : memref<10112x128xf32, #tpu.memory_space<vmem_shared>> -> memref<632x128xf32, #tpu.memory_space<vmem_shared>>
      tpu.enqueue_dma source(%arg5 : memref<632x128xf32, #tpu.memory_space<hbm>>) target(%dma_start3A_7 : memref<632x128xf32, #tpu.memory_space<vmem_shared>>) target_semaphore(%run_scoped3A : memref<!tpu.dma_semaphore, #tpu.memory_space<semaphore_mem>>)
      %dma_wait3A = arith.constant 0 : i32
      %dma_wait3A_8 = tpu.memref_slice %arg10[%mul3A_0, %dma_wait3A] : memref<10112x128xf32, #tpu.memory_space<vmem_shared>> -> memref<632x128xf32, #tpu.memory_space<vmem_shared>>
      tpu.wait_dma2 semaphore(%run_scoped3A : memref<!tpu.dma_semaphore, #tpu.memory_space<semaphore_mem>>) src(%arg5 : memref<632x128xf32, #tpu.memory_space<hbm>>) dst(%dma_wait3A_8 : memref<632x128xf32, #tpu.memory_space<vmem_shared>>)
      tpu.yield
    }) : () -> ()
    %barrier3A = arith.constant 0 : index
    tpu.barrier barrier_id(%barrier3A)
    %scan3A = arith.constant 0 : i32
    %scan3A_1 = arith.constant 0 : i32
    %scan3A_2 = arith.constant 160 : i32
    %scan3A_3 = arith.addi %scan3A_1, %scan3A_2 : i32
    %scan3A_4 = arith.constant 1 : i32
    scf.for %scan3A_7 = %scan3A_1 to %scan3A_3 step %scan3A_4  : i32 {
      %dma_start3A = arith.constant 0 : i32
      %dma_start3A_8 = tpu.memref_slice %arg7[%scan3A_7, %dma_start3A] : memref<160x64xi32, #tpu.memory_space<vmem>> -> memref<1x64xi32, #tpu.memory_space<vmem>>
      %dma_start3A_9 = tpu.memref_squeeze %dma_start3A_8 : memref<1x64xi32, #tpu.memory_space<vmem>> -> memref<64xi32, #tpu.memory_space<vmem>>
      %dma_start3A_10 = arith.constant 0 : i32
      %dma_start3A_11 = arith.constant 0 : i32
      %dma_start3A_12 = tpu.memref_slice %arg2[%dma_start3A_10, %dma_start3A_11] : memref<10000x128xf32, #tpu.memory_space<hbm>> -> memref<10000x128xf32, #tpu.memory_space<hbm>>
      tpu.enqueue_indirect_dma source(%dma_start3A_12 : memref<10000x128xf32, #tpu.memory_space<hbm>>) target(%arg9 : memref<64x128xf32, #tpu.memory_space<vmem>>) offsets(%dma_start3A_9 : memref<64xi32, #tpu.memory_space<vmem>>) semaphore(%arg11 : memref<!tpu.dma_semaphore, #tpu.memory_space<semaphore_mem>>)
      %dma_wait3A = arith.constant 0 : i32
      %dma_wait3A_13 = tpu.memref_slice %arg7[%scan3A_7, %dma_wait3A] : memref<160x64xi32, #tpu.memory_space<vmem>> -> memref<1x64xi32, #tpu.memory_space<vmem>>
      %dma_wait3A_14 = tpu.memref_squeeze %dma_wait3A_13 : memref<1x64xi32, #tpu.memory_space<vmem>> -> memref<64xi32, #tpu.memory_space<vmem>>
      %dma_wait3A_15 = arith.constant 0 : i32
      %dma_wait3A_16 = arith.constant 0 : i32
      %dma_wait3A_17 = tpu.memref_slice %arg2[%dma_wait3A_15, %dma_wait3A_16] : memref<10000x128xf32, #tpu.memory_space<hbm>> -> memref<10000x128xf32, #tpu.memory_space<hbm>>
      tpu.wait_indirect_dma semaphore(%arg11 : memref<!tpu.dma_semaphore, #tpu.memory_space<semaphore_mem>>) src(%dma_wait3A_17 : memref<10000x128xf32, #tpu.memory_space<hbm>>) dst(%arg9 : memref<64x128xf32, #tpu.memory_space<vmem>>)
      "tpu.region"() ({
        %run_scoped3A = tpu.sem_alloc : memref<!tpu.dma_semaphore, #tpu.memory_space<semaphore_mem>>
        %dma_start3A_18 = arith.constant 0 : i32
        %dma_start3A_19 = tpu.memref_slice %arg8[%scan3A_7, %dma_start3A_18] : memref<160x64xi32, #tpu.memory_space<vmem>> -> memref<1x64xi32, #tpu.memory_space<vmem>>
        %dma_start3A_20 = tpu.memref_squeeze %dma_start3A_19 : memref<1x64xi32, #tpu.memory_space<vmem>> -> memref<64xi32, #tpu.memory_space<vmem>>
        %dma_start3A_21 = arith.constant 0 : i32
        %dma_start3A_22 = arith.constant 0 : i32
        %dma_start3A_23 = tpu.memref_slice %arg10[%dma_start3A_21, %dma_start3A_22] : memref<10112x128xf32, #tpu.memory_space<vmem_shared>> -> memref<10112x128xf32, #tpu.memory_space<vmem_shared>>
        tpu.enqueue_indirect_dma source(%arg9 : memref<64x128xf32, #tpu.memory_space<vmem>>) target(%dma_start3A_23 : memref<10112x128xf32, #tpu.memory_space<vmem_shared>>) offsets(%dma_start3A_20 : memref<64xi32, #tpu.memory_space<vmem>>) semaphore(%run_scoped3A : memref<!tpu.dma_semaphore, #tpu.memory_space<semaphore_mem>>) {add = true}
        %dma_wait3A_24 = arith.constant 0 : i32
        %dma_wait3A_25 = tpu.memref_slice %arg8[%scan3A_7, %dma_wait3A_24] : memref<160x64xi32, #tpu.memory_space<vmem>> -> memref<1x64xi32, #tpu.memory_space<vmem>>
        %dma_wait3A_26 = tpu.memref_squeeze %dma_wait3A_25 : memref<1x64xi32, #tpu.memory_space<vmem>> -> memref<64xi32, #tpu.memory_space<vmem>>
        %dma_wait3A_27 = arith.constant 0 : i32
        %dma_wait3A_28 = arith.constant 0 : i32
        %dma_wait3A_29 = tpu.memref_slice %arg10[%dma_wait3A_27, %dma_wait3A_28] : memref<10112x128xf32, #tpu.memory_space<vmem_shared>> -> memref<10112x128xf32, #tpu.memory_space<vmem_shared>>
        tpu.wait_indirect_dma semaphore(%run_scoped3A : memref<!tpu.dma_semaphore, #tpu.memory_space<semaphore_mem>>) src(%arg9 : memref<64x128xf32, #tpu.memory_space<vmem>>) dst(%dma_wait3A_29 : memref<10112x128xf32, #tpu.memory_space<vmem_shared>>)
        tpu.yield
      }) : () -> ()
    }
    %scan3A_5 = arith.constant 160 : i32
    %barrier3A_6 = arith.constant 0 : index
    tpu.barrier barrier_id(%barrier3A_6)
    "tpu.region"() ({
      %run_scoped3A = tpu.sem_alloc : memref<!tpu.dma_semaphore, #tpu.memory_space<semaphore_mem>>
      %dma_start3A = arith.constant 0 : i32
      %dma_start3A_7 = tpu.memref_slice %arg6[%arg0, %mul3A_0, %dma_start3A] : memref<2x10112x128xf32, #tpu.memory_space<hbm>> -> memref<1x632x128xf32, #tpu.memory_space<hbm>>
      %dma_start3A_8 = tpu.memref_squeeze %dma_start3A_7 : memref<1x632x128xf32, #tpu.memory_space<hbm>> -> memref<632x128xf32, #tpu.memory_space<hbm>>
      %dma_start3A_9 = arith.constant 0 : i32
      %dma_start3A_10 = tpu.memref_slice %arg10[%mul3A_0, %dma_start3A_9] : memref<10112x128xf32, #tpu.memory_space<vmem_shared>> -> memref<632x128xf32, #tpu.memory_space<vmem_shared>>
      tpu.enqueue_dma source(%dma_start3A_10 : memref<632x128xf32, #tpu.memory_space<vmem_shared>>) target(%dma_start3A_8 : memref<632x128xf32, #tpu.memory_space<hbm>>) target_semaphore(%run_scoped3A : memref<!tpu.dma_semaphore, #tpu.memory_space<semaphore_mem>>)
      %dma_wait3A = arith.constant 0 : i32
      %dma_wait3A_11 = tpu.memref_slice %arg6[%arg0, %mul3A_0, %dma_wait3A] : memref<2x10112x128xf32, #tpu.memory_space<hbm>> -> memref<1x632x128xf32, #tpu.memory_space<hbm>>
      %dma_wait3A_12 = tpu.memref_squeeze %dma_wait3A_11 : memref<1x632x128xf32, #tpu.memory_space<hbm>> -> memref<632x128xf32, #tpu.memory_space<hbm>>
      %dma_wait3A_13 = arith.constant 0 : i32
      %dma_wait3A_14 = tpu.memref_slice %arg10[%mul3A_0, %dma_wait3A_13] : memref<10112x128xf32, #tpu.memory_space<vmem_shared>> -> memref<632x128xf32, #tpu.memory_space<vmem_shared>>
      tpu.wait_dma2 semaphore(%run_scoped3A : memref<!tpu.dma_semaphore, #tpu.memory_space<semaphore_mem>>) src(%dma_wait3A_14 : memref<632x128xf32, #tpu.memory_space<vmem_shared>>) dst(%dma_wait3A_12 : memref<632x128xf32, #tpu.memory_space<hbm>>)
      tpu.yield
    }) : () -> ()
    return
  }
}

#map = affine_map<(d0, d1) -> (0, 0)>
#map1 = affine_map<(d0, d1) -> (0, 0, 0, 0)>
#map2 = affine_map<(d0, d1) -> (0, 0, 0)>
module attributes {stable_mosaic.version = 14 : i64} {
  func.func @_msg_body(%arg0: i32, %arg1: i32, %arg2: memref<10000x128xf32, #tpu.memory_space<hbm>>, %arg3: memref<2x16x160x64xi32, #tpu.memory_space<hbm>>, %arg4: memref<2x16x160x64xi32, #tpu.memory_space<hbm>>, %arg5: memref<632x128xf32, #tpu.memory_space<hbm>>, %arg6: memref<2x10112x128xf32, #tpu.memory_space<hbm>>, %arg7: memref<160x64xi32, #tpu.memory_space<vmem>>, %arg8: memref<160x64xi32, #tpu.memory_space<vmem>>, %arg9: memref<64x128xf32, #tpu.memory_space<vmem>>, %arg10: memref<10112x128xf32, #tpu.memory_space<vmem_shared>>, %arg11: memref<!tpu.dma_semaphore, #tpu.memory_space<semaphore_mem>>) attributes {dimension_semantics = [#tpu.dimension_semantics<core_parallel>, #tpu.dimension_semantics<subcore_parallel>], iteration_bounds = array<i64: 2, 16>, scalar_prefetch = 0 : i64, scratch_operands = 5 : i64, tpu.core_type = #tpu.core_type<sc_vector_subcore>, window_params = [{transform_indices = #map}, {transform_indices = #map1}, {transform_indices = #map1}, {transform_indices = #map}, {transform_indices = #map2}]} {
    "tpu.region"() ({
      %run_scoped3A = tpu.sem_alloc : memref<!tpu.dma_semaphore, #tpu.memory_space<semaphore_mem>>
      %dma_start3A = arith.constant 0 : i32
      %dma_start3A_7 = arith.constant 0 : i32
      %dma_start3A_8 = tpu.memref_slice %arg3[%arg0, %arg1, %dma_start3A, %dma_start3A_7] : memref<2x16x160x64xi32, #tpu.memory_space<hbm>> -> memref<1x1x160x64xi32, #tpu.memory_space<hbm>>
      %dma_start3A_9 = tpu.memref_squeeze %dma_start3A_8 : memref<1x1x160x64xi32, #tpu.memory_space<hbm>> -> memref<160x64xi32, #tpu.memory_space<hbm>>
      %dma_start3A_10 = arith.constant 0 : i32
      %dma_start3A_11 = arith.constant 0 : i32
      %dma_start3A_12 = tpu.memref_slice %arg3[%arg0, %arg1, %dma_start3A_10, %dma_start3A_11] : memref<2x16x160x64xi32, #tpu.memory_space<hbm>> -> memref<1x1x160x64xi32, #tpu.memory_space<hbm>>
      %dma_start3A_13 = tpu.memref_squeeze %dma_start3A_12 : memref<1x1x160x64xi32, #tpu.memory_space<hbm>> -> memref<160x64xi32, #tpu.memory_space<hbm>>
      tpu.enqueue_dma source(%dma_start3A_13 : memref<160x64xi32, #tpu.memory_space<hbm>>) target(%arg7 : memref<160x64xi32, #tpu.memory_space<vmem>>) target_semaphore(%run_scoped3A : memref<!tpu.dma_semaphore, #tpu.memory_space<semaphore_mem>>)
      %dma_wait3A = arith.constant 0 : i32
      %dma_wait3A_14 = arith.constant 0 : i32
      %dma_wait3A_15 = tpu.memref_slice %arg3[%arg0, %arg1, %dma_wait3A, %dma_wait3A_14] : memref<2x16x160x64xi32, #tpu.memory_space<hbm>> -> memref<1x1x160x64xi32, #tpu.memory_space<hbm>>
      %dma_wait3A_16 = tpu.memref_squeeze %dma_wait3A_15 : memref<1x1x160x64xi32, #tpu.memory_space<hbm>> -> memref<160x64xi32, #tpu.memory_space<hbm>>
      %dma_wait3A_17 = arith.constant 0 : i32
      %dma_wait3A_18 = arith.constant 0 : i32
      %dma_wait3A_19 = tpu.memref_slice %arg3[%arg0, %arg1, %dma_wait3A_17, %dma_wait3A_18] : memref<2x16x160x64xi32, #tpu.memory_space<hbm>> -> memref<1x1x160x64xi32, #tpu.memory_space<hbm>>
      %dma_wait3A_20 = tpu.memref_squeeze %dma_wait3A_19 : memref<1x1x160x64xi32, #tpu.memory_space<hbm>> -> memref<160x64xi32, #tpu.memory_space<hbm>>
      tpu.wait_dma2 semaphore(%run_scoped3A : memref<!tpu.dma_semaphore, #tpu.memory_space<semaphore_mem>>) src(%dma_wait3A_20 : memref<160x64xi32, #tpu.memory_space<hbm>>) dst(%arg7 : memref<160x64xi32, #tpu.memory_space<vmem>>)
      tpu.yield
    }) : () -> ()
    "tpu.region"() ({
      %run_scoped3A = tpu.sem_alloc : memref<!tpu.dma_semaphore, #tpu.memory_space<semaphore_mem>>
      %dma_start3A = arith.constant 0 : i32
      %dma_start3A_7 = arith.constant 0 : i32
      %dma_start3A_8 = tpu.memref_slice %arg4[%arg0, %arg1, %dma_start3A, %dma_start3A_7] : memref<2x16x160x64xi32, #tpu.memory_space<hbm>> -> memref<1x1x160x64xi32, #tpu.memory_space<hbm>>
      %dma_start3A_9 = tpu.memref_squeeze %dma_start3A_8 : memref<1x1x160x64xi32, #tpu.memory_space<hbm>> -> memref<160x64xi32, #tpu.memory_space<hbm>>
      %dma_start3A_10 = arith.constant 0 : i32
      %dma_start3A_11 = arith.constant 0 : i32
      %dma_start3A_12 = tpu.memref_slice %arg4[%arg0, %arg1, %dma_start3A_10, %dma_start3A_11] : memref<2x16x160x64xi32, #tpu.memory_space<hbm>> -> memref<1x1x160x64xi32, #tpu.memory_space<hbm>>
      %dma_start3A_13 = tpu.memref_squeeze %dma_start3A_12 : memref<1x1x160x64xi32, #tpu.memory_space<hbm>> -> memref<160x64xi32, #tpu.memory_space<hbm>>
      tpu.enqueue_dma source(%dma_start3A_13 : memref<160x64xi32, #tpu.memory_space<hbm>>) target(%arg8 : memref<160x64xi32, #tpu.memory_space<vmem>>) target_semaphore(%run_scoped3A : memref<!tpu.dma_semaphore, #tpu.memory_space<semaphore_mem>>)
      %dma_wait3A = arith.constant 0 : i32
      %dma_wait3A_14 = arith.constant 0 : i32
      %dma_wait3A_15 = tpu.memref_slice %arg4[%arg0, %arg1, %dma_wait3A, %dma_wait3A_14] : memref<2x16x160x64xi32, #tpu.memory_space<hbm>> -> memref<1x1x160x64xi32, #tpu.memory_space<hbm>>
      %dma_wait3A_16 = tpu.memref_squeeze %dma_wait3A_15 : memref<1x1x160x64xi32, #tpu.memory_space<hbm>> -> memref<160x64xi32, #tpu.memory_space<hbm>>
      %dma_wait3A_17 = arith.constant 0 : i32
      %dma_wait3A_18 = arith.constant 0 : i32
      %dma_wait3A_19 = tpu.memref_slice %arg4[%arg0, %arg1, %dma_wait3A_17, %dma_wait3A_18] : memref<2x16x160x64xi32, #tpu.memory_space<hbm>> -> memref<1x1x160x64xi32, #tpu.memory_space<hbm>>
      %dma_wait3A_20 = tpu.memref_squeeze %dma_wait3A_19 : memref<1x1x160x64xi32, #tpu.memory_space<hbm>> -> memref<160x64xi32, #tpu.memory_space<hbm>>
      tpu.wait_dma2 semaphore(%run_scoped3A : memref<!tpu.dma_semaphore, #tpu.memory_space<semaphore_mem>>) src(%dma_wait3A_20 : memref<160x64xi32, #tpu.memory_space<hbm>>) dst(%arg8 : memref<160x64xi32, #tpu.memory_space<vmem>>)
      tpu.yield
    }) : () -> ()
    %mul3A = arith.constant 632 : i32
    %mul3A_0 = arith.muli %arg1, %mul3A : i32
    "tpu.region"() ({
      %run_scoped3A = tpu.sem_alloc : memref<!tpu.dma_semaphore, #tpu.memory_space<semaphore_mem>>
      %dma_start3A = arith.constant 0 : i32
      %dma_start3A_7 = tpu.memref_slice %arg10[%mul3A_0, %dma_start3A] : memref<10112x128xf32, #tpu.memory_space<vmem_shared>> -> memref<632x128xf32, #tpu.memory_space<vmem_shared>>
      tpu.enqueue_dma source(%arg5 : memref<632x128xf32, #tpu.memory_space<hbm>>) target(%dma_start3A_7 : memref<632x128xf32, #tpu.memory_space<vmem_shared>>) target_semaphore(%run_scoped3A : memref<!tpu.dma_semaphore, #tpu.memory_space<semaphore_mem>>)
      %dma_wait3A = arith.constant 0 : i32
      %dma_wait3A_8 = tpu.memref_slice %arg10[%mul3A_0, %dma_wait3A] : memref<10112x128xf32, #tpu.memory_space<vmem_shared>> -> memref<632x128xf32, #tpu.memory_space<vmem_shared>>
      tpu.wait_dma2 semaphore(%run_scoped3A : memref<!tpu.dma_semaphore, #tpu.memory_space<semaphore_mem>>) src(%arg5 : memref<632x128xf32, #tpu.memory_space<hbm>>) dst(%dma_wait3A_8 : memref<632x128xf32, #tpu.memory_space<vmem_shared>>)
      tpu.yield
    }) : () -> ()
    %barrier3A = arith.constant 0 : index
    tpu.barrier barrier_id(%barrier3A)
    %scan3A = arith.constant 0 : i32
    %scan3A_1 = arith.constant 0 : i32
    %scan3A_2 = arith.constant 160 : i32
    %scan3A_3 = arith.addi %scan3A_1, %scan3A_2 : i32
    %scan3A_4 = arith.constant 1 : i32
    scf.for %scan3A_7 = %scan3A_1 to %scan3A_3 step %scan3A_4  : i32 {
      %dma_start3A = arith.constant 0 : i32
      %dma_start3A_8 = tpu.memref_slice %arg7[%scan3A_7, %dma_start3A] : memref<160x64xi32, #tpu.memory_space<vmem>> -> memref<1x64xi32, #tpu.memory_space<vmem>>
      %dma_start3A_9 = tpu.memref_squeeze %dma_start3A_8 : memref<1x64xi32, #tpu.memory_space<vmem>> -> memref<64xi32, #tpu.memory_space<vmem>>
      %dma_start3A_10 = arith.constant 0 : i32
      %dma_start3A_11 = arith.constant 0 : i32
      %dma_start3A_12 = tpu.memref_slice %arg2[%dma_start3A_10, %dma_start3A_11] : memref<10000x128xf32, #tpu.memory_space<hbm>> -> memref<10000x128xf32, #tpu.memory_space<hbm>>
      tpu.enqueue_indirect_dma source(%dma_start3A_12 : memref<10000x128xf32, #tpu.memory_space<hbm>>) target(%arg9 : memref<64x128xf32, #tpu.memory_space<vmem>>) offsets(%dma_start3A_9 : memref<64xi32, #tpu.memory_space<vmem>>) semaphore(%arg11 : memref<!tpu.dma_semaphore, #tpu.memory_space<semaphore_mem>>)
      %dma_wait3A = arith.constant 0 : i32
      %dma_wait3A_13 = tpu.memref_slice %arg7[%scan3A_7, %dma_wait3A] : memref<160x64xi32, #tpu.memory_space<vmem>> -> memref<1x64xi32, #tpu.memory_space<vmem>>
      %dma_wait3A_14 = tpu.memref_squeeze %dma_wait3A_13 : memref<1x64xi32, #tpu.memory_space<vmem>> -> memref<64xi32, #tpu.memory_space<vmem>>
      %dma_wait3A_15 = arith.constant 0 : i32
      %dma_wait3A_16 = arith.constant 0 : i32
      %dma_wait3A_17 = tpu.memref_slice %arg2[%dma_wait3A_15, %dma_wait3A_16] : memref<10000x128xf32, #tpu.memory_space<hbm>> -> memref<10000x128xf32, #tpu.memory_space<hbm>>
      tpu.wait_indirect_dma semaphore(%arg11 : memref<!tpu.dma_semaphore, #tpu.memory_space<semaphore_mem>>) src(%dma_wait3A_17 : memref<10000x128xf32, #tpu.memory_space<hbm>>) dst(%arg9 : memref<64x128xf32, #tpu.memory_space<vmem>>)
      "tpu.region"() ({
        %run_scoped3A = tpu.sem_alloc : memref<!tpu.dma_semaphore, #tpu.memory_space<semaphore_mem>>
        %dma_start3A_18 = arith.constant 0 : i32
        %dma_start3A_19 = tpu.memref_slice %arg8[%scan3A_7, %dma_start3A_18] : memref<160x64xi32, #tpu.memory_space<vmem>> -> memref<1x64xi32, #tpu.memory_space<vmem>>
        %dma_start3A_20 = tpu.memref_squeeze %dma_start3A_19 : memref<1x64xi32, #tpu.memory_space<vmem>> -> memref<64xi32, #tpu.memory_space<vmem>>
        %dma_start3A_21 = arith.constant 0 : i32
        %dma_start3A_22 = arith.constant 0 : i32
        %dma_start3A_23 = tpu.memref_slice %arg10[%dma_start3A_21, %dma_start3A_22] : memref<10112x128xf32, #tpu.memory_space<vmem_shared>> -> memref<10112x128xf32, #tpu.memory_space<vmem_shared>>
        tpu.enqueue_indirect_dma source(%arg9 : memref<64x128xf32, #tpu.memory_space<vmem>>) target(%dma_start3A_23 : memref<10112x128xf32, #tpu.memory_space<vmem_shared>>) offsets(%dma_start3A_20 : memref<64xi32, #tpu.memory_space<vmem>>) semaphore(%run_scoped3A : memref<!tpu.dma_semaphore, #tpu.memory_space<semaphore_mem>>) {add = true}
        %dma_wait3A_24 = arith.constant 0 : i32
        %dma_wait3A_25 = tpu.memref_slice %arg8[%scan3A_7, %dma_wait3A_24] : memref<160x64xi32, #tpu.memory_space<vmem>> -> memref<1x64xi32, #tpu.memory_space<vmem>>
        %dma_wait3A_26 = tpu.memref_squeeze %dma_wait3A_25 : memref<1x64xi32, #tpu.memory_space<vmem>> -> memref<64xi32, #tpu.memory_space<vmem>>
        %dma_wait3A_27 = arith.constant 0 : i32
        %dma_wait3A_28 = arith.constant 0 : i32
        %dma_wait3A_29 = tpu.memref_slice %arg10[%dma_wait3A_27, %dma_wait3A_28] : memref<10112x128xf32, #tpu.memory_space<vmem_shared>> -> memref<10112x128xf32, #tpu.memory_space<vmem_shared>>
        tpu.wait_indirect_dma semaphore(%run_scoped3A : memref<!tpu.dma_semaphore, #tpu.memory_space<semaphore_mem>>) src(%arg9 : memref<64x128xf32, #tpu.memory_space<vmem>>) dst(%dma_wait3A_29 : memref<10112x128xf32, #tpu.memory_space<vmem_shared>>)
        tpu.yield
      }) : () -> ()
    }
    %scan3A_5 = arith.constant 160 : i32
    %barrier3A_6 = arith.constant 0 : index
    tpu.barrier barrier_id(%barrier3A_6)
    "tpu.region"() ({
      %run_scoped3A = tpu.sem_alloc : memref<!tpu.dma_semaphore, #tpu.memory_space<semaphore_mem>>
      %dma_start3A = arith.constant 0 : i32
      %dma_start3A_7 = tpu.memref_slice %arg6[%arg0, %mul3A_0, %dma_start3A] : memref<2x10112x128xf32, #tpu.memory_space<hbm>> -> memref<1x632x128xf32, #tpu.memory_space<hbm>>
      %dma_start3A_8 = tpu.memref_squeeze %dma_start3A_7 : memref<1x632x128xf32, #tpu.memory_space<hbm>> -> memref<632x128xf32, #tpu.memory_space<hbm>>
      %dma_start3A_9 = arith.constant 0 : i32
      %dma_start3A_10 = tpu.memref_slice %arg10[%mul3A_0, %dma_start3A_9] : memref<10112x128xf32, #tpu.memory_space<vmem_shared>> -> memref<632x128xf32, #tpu.memory_space<vmem_shared>>
      tpu.enqueue_dma source(%dma_start3A_10 : memref<632x128xf32, #tpu.memory_space<vmem_shared>>) target(%dma_start3A_8 : memref<632x128xf32, #tpu.memory_space<hbm>>) target_semaphore(%run_scoped3A : memref<!tpu.dma_semaphore, #tpu.memory_space<semaphore_mem>>)
      %dma_wait3A = arith.constant 0 : i32
      %dma_wait3A_11 = tpu.memref_slice %arg6[%arg0, %mul3A_0, %dma_wait3A] : memref<2x10112x128xf32, #tpu.memory_space<hbm>> -> memref<1x632x128xf32, #tpu.memory_space<hbm>>
      %dma_wait3A_12 = tpu.memref_squeeze %dma_wait3A_11 : memref<1x632x128xf32, #tpu.memory_space<hbm>> -> memref<632x128xf32, #tpu.memory_space<hbm>>
      %dma_wait3A_13 = arith.constant 0 : i32
      %dma_wait3A_14 = tpu.memref_slice %arg10[%mul3A_0, %dma_wait3A_13] : memref<10112x128xf32, #tpu.memory_space<vmem_shared>> -> memref<632x128xf32, #tpu.memory_space<vmem_shared>>
      tpu.wait_dma2 semaphore(%run_scoped3A : memref<!tpu.dma_semaphore, #tpu.memory_space<semaphore_mem>>) src(%dma_wait3A_14 : memref<632x128xf32, #tpu.memory_space<vmem_shared>>) dst(%dma_wait3A_12 : memref<632x128xf32, #tpu.memory_space<hbm>>)
      tpu.yield
    }) : () -> ()
    return
  }
}

module attributes {stable_mosaic.version = 14 : i64} {
  func.func @_tc_first_body(%arg0: i32, %arg1: memref<2x1000x16xf32, #tpu.memory_space<vmem>>, %arg2: memref<1000x128xf32, #tpu.memory_space<vmem>>, %arg3: memref<128x128xf32, #tpu.memory_space<vmem>>, %arg4: memref<1000x128xf32, #tpu.memory_space<vmem>>, %arg5: memref<1000x128xf32, #tpu.memory_space<vmem>>) attributes {dimension_semantics = [#tpu.dimension_semantics<arbitrary>], iteration_bounds = array<i64: 10>, scalar_prefetch = 0 : i64, scratch_operands = 0 : i64, tpu.core_type = #tpu.core_type<tc>, window_params = [{transform_indices = @transform_0, window_bounds = array<i64: 2, 1000, 16>}, {transform_indices = @transform_1, window_bounds = array<i64: 1000, 128>}, {pipeline_mode = #tpu.pipeline_mode<synchronous>, transform_indices = @transform_2, window_bounds = array<i64: 128, 128>}, {transform_indices = @transform_3, window_bounds = array<i64: 1000, 128>}, {transform_indices = @transform_4, window_bounds = array<i64: 1000, 128>}]} {
    %get3A = arith.constant 0 : index
    %get3A_0 = arith.constant 0 : index
    %get3A_1 = arith.constant 0 : index
    %get3A_2 = vector.load %arg1[%get3A, %get3A_0, %get3A_1] : memref<2x1000x16xf32, #tpu.memory_space<vmem>>, vector<1x1000x16xf32>
    %get3A_3 = vector.shape_cast %get3A_2 : vector<1x1000x16xf32> to vector<1000x16xf32>
    %get3A_4 = arith.constant 1 : index
    %get3A_5 = arith.constant 0 : index
    %get3A_6 = arith.constant 0 : index
    %get3A_7 = vector.load %arg1[%get3A_4, %get3A_5, %get3A_6] : memref<2x1000x16xf32, #tpu.memory_space<vmem>>, vector<1x1000x16xf32>
    %get3A_8 = vector.shape_cast %get3A_7 : vector<1x1000x16xf32> to vector<1000x16xf32>
    %add3A = arith.addf %get3A_3, %get3A_8 : vector<1000x16xf32>
    %reduce_sum3A = arith.constant dense<0.000000e+00> : vector<1000xf32>
    %reduce_sum3A_9 = vector.multi_reduction <add>, %add3A, %reduce_sum3A [1] : vector<1000x16xf32> to vector<1000xf32>
    %broadcast_in_dim3A = vector.shape_cast %reduce_sum3A_9 : vector<1000xf32> to vector<1000x1xf32>
    %mul3A = arith.constant 6.250000e-02 : f32
    %mul3A_10 = vector.broadcast %mul3A : f32 to vector<1000x1xf32>
    %mul3A_11 = arith.mulf %broadcast_in_dim3A, %mul3A_10 : vector<1000x1xf32>
    %add3A_12 = arith.constant 1.000000e+00 : f32
    %add3A_13 = vector.broadcast %add3A_12 : f32 to vector<1000x1xf32>
    %add3A_14 = arith.addf %mul3A_11, %add3A_13 : vector<1000x1xf32>
    %rsqrt3A = math.rsqrt %add3A_14 : vector<1000x1xf32>
    %broadcast_in_dim3A_15 = vector.shape_cast %rsqrt3A : vector<1000x1xf32> to vector<1000x1xf32>
    %broadcast_in_dim3A_16 = vector.broadcast %broadcast_in_dim3A_15 : vector<1000x1xf32> to vector<1000x128xf32>
    %get3A_17 = arith.constant 0 : index
    %get3A_18 = arith.constant 0 : index
    %get3A_19 = vector.load %arg2[%get3A_17, %get3A_18] : memref<1000x128xf32, #tpu.memory_space<vmem>>, vector<1000x128xf32>
    %get3A_20 = arith.constant 0 : index
    %get3A_21 = arith.constant 0 : index
    %get3A_22 = vector.load %arg3[%get3A_20, %get3A_21] : memref<128x128xf32, #tpu.memory_space<vmem>>, vector<128x128xf32>
    %dot_general3A = arith.constant dense<0.000000e+00> : vector<1000x128xf32>
    %dot_general3A_23 = tpu.matmul %get3A_19, %get3A_22, %dot_general3A {dimension_numbers = #tpu.dot_dimension_numbers<[1], [0], [0], [1], [0, 0, 1, 1], [], []>, transpose_lhs_hint = false} : vector<1000x128xf32>, vector<128x128xf32>, vector<1000x128xf32> -> vector<1000x128xf32>
    %mul3A_24 = arith.mulf %dot_general3A_23, %broadcast_in_dim3A_16 : vector<1000x128xf32>
    %swap3A = arith.constant 0 : index
    %swap3A_25 = arith.constant 0 : index
    %swap3A_26 = vector.load %arg4[%swap3A, %swap3A_25] : memref<1000x128xf32, #tpu.memory_space<vmem>>, vector<1000x128xf32>
    tpu.vector_store %arg4[%swap3A, %swap3A_25], %mul3A_24 {strides = array<i32>} : memref<1000x128xf32, #tpu.memory_space<vmem>>, vector<1000x128xf32>,
    %swap3A_27 = arith.constant 0 : index
    %swap3A_28 = arith.constant 0 : index
    %swap3A_29 = vector.load %arg5[%swap3A_27, %swap3A_28] : memref<1000x128xf32, #tpu.memory_space<vmem>>, vector<1000x128xf32>
    tpu.vector_store %arg5[%swap3A_27, %swap3A_28], %broadcast_in_dim3A_16 {strides = array<i32>} : memref<1000x128xf32, #tpu.memory_space<vmem>>, vector<1000x128xf32>,
    return
  }
  func.func @transform_0(%arg0: i32) -> (i32, i32, i32) {
    %c0_i32 = arith.constant 0 : i32
    %c0_i32_0 = arith.constant 0 : i32
    %c0_i32_1 = arith.constant 0 : i32
    return %c0_i32, %arg0, %c0_i32_0 : i32, i32, i32
  }
  func.func @transform_1(%arg0: i32) -> (i32, i32) {
    %c0_i32 = arith.constant 0 : i32
    %c0_i32_0 = arith.constant 0 : i32
    return %arg0, %c0_i32 : i32, i32
  }
  func.func @transform_2(%arg0: i32) -> (i32, i32) {
    %c0_i32 = arith.constant 0 : i32
    %c0_i32_0 = arith.constant 0 : i32
    %c0_i32_1 = arith.constant 0 : i32
    return %c0_i32, %c0_i32_0 : i32, i32
  }
  func.func @transform_3(%arg0: i32) -> (i32, i32) {
    %c0_i32 = arith.constant 0 : i32
    %c0_i32_0 = arith.constant 0 : i32
    return %arg0, %c0_i32 : i32, i32
  }
  func.func @transform_4(%arg0: i32) -> (i32, i32) {
    %c0_i32 = arith.constant 0 : i32
    %c0_i32_0 = arith.constant 0 : i32
    return %arg0, %c0_i32 : i32, i32
  }
}

module attributes {stable_mosaic.version = 14 : i64} {
  func.func @_tc_mid_body(%arg0: i32, %arg1: memref<2x1000x128xf32, #tpu.memory_space<vmem>>, %arg2: memref<1000x128xf32, #tpu.memory_space<vmem>>, %arg3: memref<1000x128xf32, #tpu.memory_space<vmem>>, %arg4: memref<8x128xf32, #tpu.memory_space<vmem>>, %arg5: memref<128x128xf32, #tpu.memory_space<vmem>>, %arg6: memref<1000x128xf32, #tpu.memory_space<vmem>>) attributes {dimension_semantics = [#tpu.dimension_semantics<arbitrary>], iteration_bounds = array<i64: 10>, scalar_prefetch = 0 : i64, scratch_operands = 0 : i64, tpu.core_type = #tpu.core_type<tc>, window_params = [{transform_indices = @transform_0, window_bounds = array<i64: 2, 1000, 128>}, {transform_indices = @transform_1, window_bounds = array<i64: 1000, 128>}, {transform_indices = @transform_2, window_bounds = array<i64: 1000, 128>}, {pipeline_mode = #tpu.pipeline_mode<synchronous>, transform_indices = @transform_3, window_bounds = array<i64: 8, 128>}, {pipeline_mode = #tpu.pipeline_mode<synchronous>, transform_indices = @transform_4, window_bounds = array<i64: 128, 128>}, {transform_indices = @transform_5, window_bounds = array<i64: 1000, 128>}]} {
    %get3A = arith.constant 0 : index
    %get3A_0 = arith.constant 0 : index
    %get3A_1 = vector.load %arg3[%get3A, %get3A_0] : memref<1000x128xf32, #tpu.memory_space<vmem>>, vector<1000x128xf32>
    %get3A_2 = arith.constant 0 : index
    %get3A_3 = arith.constant 0 : index
    %get3A_4 = arith.constant 0 : index
    %get3A_5 = vector.load %arg1[%get3A_2, %get3A_3, %get3A_4] : memref<2x1000x128xf32, #tpu.memory_space<vmem>>, vector<1x1000x128xf32>
    %get3A_6 = vector.shape_cast %get3A_5 : vector<1x1000x128xf32> to vector<1000x128xf32>
    %get3A_7 = arith.constant 1 : index
    %get3A_8 = arith.constant 0 : index
    %get3A_9 = arith.constant 0 : index
    %get3A_10 = vector.load %arg1[%get3A_7, %get3A_8, %get3A_9] : memref<2x1000x128xf32, #tpu.memory_space<vmem>>, vector<1x1000x128xf32>
    %get3A_11 = vector.shape_cast %get3A_10 : vector<1x1000x128xf32> to vector<1000x128xf32>
    %add3A = arith.addf %get3A_6, %get3A_11 : vector<1000x128xf32>
    %get3A_12 = arith.constant 0 : index
    %get3A_13 = arith.constant 0 : index
    %get3A_14 = vector.load %arg2[%get3A_12, %get3A_13] : memref<1000x128xf32, #tpu.memory_space<vmem>>, vector<1000x128xf32>
    %add3A_15 = arith.addf %add3A, %get3A_14 : vector<1000x128xf32>
    %mul3A = arith.mulf %get3A_1, %add3A_15 : vector<1000x128xf32>
    %get3A_16 = arith.constant 0 : index
    %get3A_17 = arith.constant 0 : index
    %get3A_18 = vector.load %arg4[%get3A_16, %get3A_17] : memref<8x128xf32, #tpu.memory_space<vmem>>, vector<8x128xf32>
    %slice3A = vector.extract_strided_slice %get3A_18 {offsets = [0, 0], sizes = [1, 128], strides = [1, 1]} : vector<8x128xf32> to vector<1x128xf32>
    %add3A_19 = vector.broadcast %slice3A : vector<1x128xf32> to vector<1000x128xf32>
    %add3A_20 = arith.addf %mul3A, %add3A_19 : vector<1000x128xf32>
    %max3A = arith.constant 0.000000e+00 : f32
    %max3A_21 = vector.broadcast %max3A : f32 to vector<1000x128xf32>
    %max3A_22 = arith.maximumf %add3A_20, %max3A_21 : vector<1000x128xf32>
    %get3A_23 = arith.constant 0 : index
    %get3A_24 = arith.constant 0 : index
    %get3A_25 = vector.load %arg5[%get3A_23, %get3A_24] : memref<128x128xf32, #tpu.memory_space<vmem>>, vector<128x128xf32>
    %dot_general3A = arith.constant dense<0.000000e+00> : vector<1000x128xf32>
    %dot_general3A_26 = tpu.matmul %max3A_22, %get3A_25, %dot_general3A {dimension_numbers = #tpu.dot_dimension_numbers<[1], [0], [0], [1], [0, 0, 1, 1], [], []>, transpose_lhs_hint = false} : vector<1000x128xf32>, vector<128x128xf32>, vector<1000x128xf32> -> vector<1000x128xf32>
    %get3A_27 = arith.constant 0 : index
    %get3A_28 = arith.constant 0 : index
    %get3A_29 = vector.load %arg3[%get3A_27, %get3A_28] : memref<1000x128xf32, #tpu.memory_space<vmem>>, vector<1000x128xf32>
    %mul3A_30 = arith.mulf %dot_general3A_26, %get3A_29 : vector<1000x128xf32>
    %swap3A = arith.constant 0 : index
    %swap3A_31 = arith.constant 0 : index
    %swap3A_32 = vector.load %arg6[%swap3A, %swap3A_31] : memref<1000x128xf32, #tpu.memory_space<vmem>>, vector<1000x128xf32>
    tpu.vector_store %arg6[%swap3A, %swap3A_31], %mul3A_30 {strides = array<i32>} : memref<1000x128xf32, #tpu.memory_space<vmem>>, vector<1000x128xf32>,
    return
  }
  func.func @transform_0(%arg0: i32) -> (i32, i32, i32) {
    %c0_i32 = arith.constant 0 : i32
    %c0_i32_0 = arith.constant 0 : i32
    %c0_i32_1 = arith.constant 0 : i32
    return %c0_i32, %arg0, %c0_i32_0 : i32, i32, i32
  }
  func.func @transform_1(%arg0: i32) -> (i32, i32) {
    %c0_i32 = arith.constant 0 : i32
    %c0_i32_0 = arith.constant 0 : i32
    return %arg0, %c0_i32 : i32, i32
  }
  func.func @transform_2(%arg0: i32) -> (i32, i32) {
    %c0_i32 = arith.constant 0 : i32
    %c0_i32_0 = arith.constant 0 : i32
    return %arg0, %c0_i32 : i32, i32
  }
  func.func @transform_3(%arg0: i32) -> (i32, i32) {
    %c0_i32 = arith.constant 0 : i32
    %c0_i32_0 = arith.constant 0 : i32
    %c0_i32_1 = arith.constant 0 : i32
    return %c0_i32, %c0_i32_0 : i32, i32
  }
  func.func @transform_4(%arg0: i32) -> (i32, i32) {
    %c0_i32 = arith.constant 0 : i32
    %c0_i32_0 = arith.constant 0 : i32
    %c0_i32_1 = arith.constant 0 : i32
    return %c0_i32, %c0_i32_0 : i32, i32
  }
  func.func @transform_5(%arg0: i32) -> (i32, i32) {
    %c0_i32 = arith.constant 0 : i32
    %c0_i32_0 = arith.constant 0 : i32
    return %arg0, %c0_i32 : i32, i32
  }
}

module attributes {stable_mosaic.version = 14 : i64} {
  func.func @_tc_final_body(%arg0: i32, %arg1: memref<2x1000x128xf32, #tpu.memory_space<vmem>>, %arg2: memref<1000x128xf32, #tpu.memory_space<vmem>>, %arg3: memref<1000x128xf32, #tpu.memory_space<vmem>>, %arg4: memref<8x128xf32, #tpu.memory_space<vmem>>, %arg5: memref<1000x128xf32, #tpu.memory_space<vmem>>) attributes {dimension_semantics = [#tpu.dimension_semantics<arbitrary>], iteration_bounds = array<i64: 10>, scalar_prefetch = 0 : i64, scratch_operands = 0 : i64, tpu.core_type = #tpu.core_type<tc>, window_params = [{transform_indices = @transform_0, window_bounds = array<i64: 2, 1000, 128>}, {transform_indices = @transform_1, window_bounds = array<i64: 1000, 128>}, {transform_indices = @transform_2, window_bounds = array<i64: 1000, 128>}, {pipeline_mode = #tpu.pipeline_mode<synchronous>, transform_indices = @transform_3, window_bounds = array<i64: 8, 128>}, {transform_indices = @transform_4, window_bounds = array<i64: 1000, 128>}]} {
    %get3A = arith.constant 0 : index
    %get3A_0 = arith.constant 0 : index
    %get3A_1 = vector.load %arg3[%get3A, %get3A_0] : memref<1000x128xf32, #tpu.memory_space<vmem>>, vector<1000x128xf32>
    %get3A_2 = arith.constant 0 : index
    %get3A_3 = arith.constant 0 : index
    %get3A_4 = arith.constant 0 : index
    %get3A_5 = vector.load %arg1[%get3A_2, %get3A_3, %get3A_4] : memref<2x1000x128xf32, #tpu.memory_space<vmem>>, vector<1x1000x128xf32>
    %get3A_6 = vector.shape_cast %get3A_5 : vector<1x1000x128xf32> to vector<1000x128xf32>
    %get3A_7 = arith.constant 1 : index
    %get3A_8 = arith.constant 0 : index
    %get3A_9 = arith.constant 0 : index
    %get3A_10 = vector.load %arg1[%get3A_7, %get3A_8, %get3A_9] : memref<2x1000x128xf32, #tpu.memory_space<vmem>>, vector<1x1000x128xf32>
    %get3A_11 = vector.shape_cast %get3A_10 : vector<1x1000x128xf32> to vector<1000x128xf32>
    %add3A = arith.addf %get3A_6, %get3A_11 : vector<1000x128xf32>
    %get3A_12 = arith.constant 0 : index
    %get3A_13 = arith.constant 0 : index
    %get3A_14 = vector.load %arg2[%get3A_12, %get3A_13] : memref<1000x128xf32, #tpu.memory_space<vmem>>, vector<1000x128xf32>
    %add3A_15 = arith.addf %add3A, %get3A_14 : vector<1000x128xf32>
    %mul3A = arith.mulf %get3A_1, %add3A_15 : vector<1000x128xf32>
    %get3A_16 = arith.constant 0 : index
    %get3A_17 = arith.constant 0 : index
    %get3A_18 = vector.load %arg4[%get3A_16, %get3A_17] : memref<8x128xf32, #tpu.memory_space<vmem>>, vector<8x128xf32>
    %slice3A = vector.extract_strided_slice %get3A_18 {offsets = [0, 0], sizes = [1, 128], strides = [1, 1]} : vector<8x128xf32> to vector<1x128xf32>
    %add3A_19 = vector.broadcast %slice3A : vector<1x128xf32> to vector<1000x128xf32>
    %add3A_20 = arith.addf %mul3A, %add3A_19 : vector<1000x128xf32>
    %swap3A = arith.constant 0 : index
    %swap3A_21 = arith.constant 0 : index
    %swap3A_22 = vector.load %arg5[%swap3A, %swap3A_21] : memref<1000x128xf32, #tpu.memory_space<vmem>>, vector<1000x128xf32>
    tpu.vector_store %arg5[%swap3A, %swap3A_21], %add3A_20 {strides = array<i32>} : memref<1000x128xf32, #tpu.memory_space<vmem>>, vector<1000x128xf32>,
    return
  }
  func.func @transform_0(%arg0: i32) -> (i32, i32, i32) {
    %c0_i32 = arith.constant 0 : i32
    %c0_i32_0 = arith.constant 0 : i32
    %c0_i32_1 = arith.constant 0 : i32
    return %c0_i32, %arg0, %c0_i32_0 : i32, i32, i32
  }
  func.func @transform_1(%arg0: i32) -> (i32, i32) {
    %c0_i32 = arith.constant 0 : i32
    %c0_i32_0 = arith.constant 0 : i32
    return %arg0, %c0_i32 : i32, i32
  }
  func.func @transform_2(%arg0: i32) -> (i32, i32) {
    %c0_i32 = arith.constant 0 : i32
    %c0_i32_0 = arith.constant 0 : i32
    return %arg0, %c0_i32 : i32, i32
  }
  func.func @transform_3(%arg0: i32) -> (i32, i32) {
    %c0_i32 = arith.constant 0 : i32
    %c0_i32_0 = arith.constant 0 : i32
    %c0_i32_1 = arith.constant 0 : i32
    return %c0_i32, %c0_i32_0 : i32, i32
  }
  func.func @transform_4(%arg0: i32) -> (i32, i32) {
    %c0_i32 = arith.constant 0 : i32
    %c0_i32_0 = arith.constant 0 : i32
    return %arg0, %c0_i32 : i32, i32
  }
}

</mosaic_0001>

<sc_bundles>
// kernel: kernel.10.cloned.1.call-start
scs
__scs_entry_jumppad:
0x0: {  	(pc) =	sbr.rel $0x88, $3  }
0x1: {  	(tag) =	ssettag $0x0;
	lr =	simm.s32 $0x1  }
0x2: {  	[smem:$0x3F99] =	sst lr;
	_ =	strace $0xD0000000  }
0x3: {  	_ = 	snop  }
0x4: {  	_ = 	snop  }
0x5: {  	_ = 	snop  }
0x6: {  	_ = 	snop  }
0x7: {  	_ = 	snop  }
__scs_overlays_trampoline_lowered:
0x8: {  	[smem:$0x3FA8] =	sst s0  }
0x9: {  	[smem:$0x3FA9] =	sst s1  }
0xa: {  	[smem:$0x3FAA] =	sst s2  }
0xb: {  	[smem:$0x3FAB] =	sst s3  }
0xc: {  	[smem:$0x3FAC] =	sst s4  }
0xd: {  	[smem:$0x3FAD] =	sst s5  }
0xe: {  	[smem:$0x3FAE] =	sst s6  }
0xf: {  	[smem:$0x3FAF] =	sst s7  }
0x10: {  	[smem:$0x3FB0] =	sst s8  }
0x11: {  	[smem:$0x3FB1] =	sst s9;
	s0 =	simm.s32 @!p0 $0x0  }
0x12: {  	s1 =	sld [smem:$0x3F97];
	s0 =	simm.s32 @p0 $0x1  }
0x13: {  	[smem:$0x3FB2] =	sst s0;
	s0 =	simm.s32 @!p1 $0x0  }
0x14: {  	s2 =	sld [smem:$0x3F96];
	s0 =	simm.s32 @p1 $0x1  }
0x15: {  	[smem:$0x3FB3] =	sst s0;
	s0 =	simm.s32 @!p2 $0x0  }
0x16: {  	s3 =	sld [smem:$0x3FDB];
	s0 =	simm.s32 @p2 $0x1  }
0x17: {  	s4 =	simm.s32 $0x1BF5;
	[smem:$0x3FB5] =	sst s0  }
0x18: {  	s0 =	sld [smem:$0x3F98];
	_ =	swait.ge [sflag:s4], $0x0  }
0x19: {  	s7 =	sld [smem:$0x3F99]  }
0x1a: {  	s8 =	sadd.s32 $0xFFFFE003, lr  }
0x1b: {  	s9 =	sadd.s32 $0xFFFFFEF7, lr;
	s5 =	simm.s32 $0xFFFFFFFF;
	p2 =	slt.u32 s8, $0xFFFFF086  }
0x1c: {  	p1 =	slt.u32 s9, $0xF7A;
	s5 =	simm.s32 @!p2 $0x0  }
0x1d: {  	s5 =	simm.s32 @p1 $0x1;
	p0 =	seq.s32 s7, s2  }
0x1e: {  	s7 =	smul.u32 @!p0 $0xF7A, s2;
	p2 =	seq.s32 @!p0 s5, $0x0  }
0x1f: {  	s9 =	smul.u32 $0xF7A, s1;
	s8 =	simm.s32 @!p0 $0x1BF5;
	p2 =	por !p2, p0  }
0x20: {  	[sflag:s8] =	ssyncset.s32 @!p0 $0xFFFFF086;
	s6 =	sadd.s32 @!p0 s3, s7;
	s7 =	simm.s32 @!p0 $0x108  }
0x21: {  	s3 =	sadd.s32 s3, s9;
	s6 =	sadd.s32 @!p0 $0x88, s6;
	s7 =	simm.s32 @p2 $0x1082  }
0x22: {  	[simem:s7], [sflag:s8] =	dma.local @!p0 [hbm:s6], $0xF7A  }
0x23: {  	s9 =	sor.u32 $0xD0000000, s2;
	s6 =	simm.s32 $0x108;
	_ =	swait.ge @!p0 [sflag:s8], $0x0  }
0x24: {  	s3 =	sadd.s32 $0x88, s3;
	s6 =	simm.s32 @!p1 $0x1082;
	[sflag:s4] =	ssyncset.s32 $0xFFFFF086  }
0x25: {  	[simem:s6], [sflag:s4] =	dma.local [hbm:s3], $0xF7A  }
0x26: {  	[smem:$0x3F99] =	sst s1;
	(tag) =	ssettag s2;
	_ =	strace s9  }
0x27: {  	s1 =	sld [smem:$0x3FA9]  }
0x28: {  	s2 =	sld [smem:$0x3FAA]  }
0x29: {  	s4 =	sld [smem:$0x3FAC]  }
0x2a: {  	p0 =	seq.s32 s5, $0x0;
	s5 =	sld [smem:$0x3FAD]  }
0x2b: {  	s6 =	sld [smem:$0x3FAE]  }
0x2c: {  	s7 =	sld [smem:$0x3FAF]  }
0x2d: {  	s3 =	simm.s32 $0x108;
	s8 =	sld [smem:$0x3FB0]  }
0x2e: {  	s3 =	simm.s32 @!p0 $0x1082;
	s9 =	sld [smem:$0x3FB1]  }
0x2f: {  	lr =	sadd.s32 s0, s3;
	s0 =	sld [smem:$0x3FA8]  }
0x30: {  	s3 =	sld [smem:$0x3FAB]  }
0x31: {  	[smem:$0x3FB4] =	sst s10  }
0x32: {  	s10 =	sld [smem:$0x3FB2];
	_ =	sdelay $0x3  }
0x33: {  	p0 =	seq.s32 s10, $0x1;
	s10 =	sld [smem:$0x3FB4];
	_ =	sdelay $0x3  }
0x34: {  	[smem:$0x3FB4] =	sst s10  }
0x35: {  	s10 =	sld [smem:$0x3FB3];
	_ =	sdelay $0x3  }
0x36: {  	p1 =	seq.s32 s10, $0x1;
	s10 =	sld [smem:$0x3FB4];
	_ =	sdelay $0x3  }
0x37: {  	[smem:$0x3FB4] =	sst s10  }
0x38: {  	s10 =	sld [smem:$0x3FB5]  }
0x39: {  	_ = 	snop;
	(pc) =	sbr.ind lr, $3  }
0x3a: {  	_ = 	snop  }
0x3b: {  	_ = 	snop  }
0x3c: {  	p2 =	seq.s32 s10, $0x1;
	s10 =	sld [smem:$0x3FB4]  }
0x3d: {  	_ =	shalt  }
0x3e: {  	_ =	shalt  }
0x3f: {  	_ =	shalt  }
0x40: {  	_ =	shalt  }
0x41: {  	_ =	shalt  }
0x42: {  	_ =	shalt  }
0x43: {  	_ =	shalt  }
0x44: {  	_ =	shalt  }
0x45: {  	_ =	shalt  }
0x46: {  	_ =	shalt  }
0x47: {  	_ =	shalt  }
0x48: {  	_ =	shalt  }
0x49: {  	_ =	shalt  }
0x4a: {  	_ =	shalt  }
0x4b: {  	_ =	shalt  }
0x4c: {  	_ =	shalt  }
0x4d: {  	_ =	shalt  }
0x4e: {  	_ =	shalt  }
0x4f: {  	_ =	shalt  }
0x50: {  	_ =	shalt  }
0x51: {  	_ =	shalt  }
0x52: {  	_ =	shalt  }
0x53: {  	_ =	shalt  }
0x54: {  	_ =	shalt  }
0x55: {  	_ =	shalt  }
0x56: {  	_ =	shalt  }
0x57: {  	_ =	shalt  }
0x58: {  	_ =	shalt  }
0x59: {  	_ =	shalt  }
0x5a: {  	_ =	shalt  }
0x5b: {  	_ =	shalt  }
0x5c: {  	_ =	shalt  }
0x5d: {  	_ =	shalt  }
0x5e: {  	_ =	shalt  }
0x5f: {  	_ =	shalt  }
0x60: {  	_ =	shalt  }
0x61: {  	_ =	shalt  }
0x62: {  	_ =	shalt  }
0x63: {  	_ =	shalt  }
0x64: {  	_ =	shalt  }
0x65: {  	_ =	shalt  }
0x66: {  	_ =	shalt  }
0x67: {  	_ =	shalt  }
0x68: {  	_ =	shalt  }
0x69: {  	_ =	shalt  }
0x6a: {  	_ =	shalt  }
0x6b: {  	_ =	shalt  }
0x6c: {  	_ =	shalt  }
0x6d: {  	_ =	shalt  }
0x6e: {  	_ =	shalt  }
0x6f: {  	_ =	shalt  }
0x70: {  	_ =	shalt  }
0x71: {  	_ =	shalt  }
0x72: {  	_ =	shalt  }
0x73: {  	_ =	shalt  }
0x74: {  	_ =	shalt  }
0x75: {  	_ =	shalt  }
0x76: {  	_ =	shalt  }
0x77: {  	_ =	shalt  }
0x78: {  	_ =	shalt  }
0x79: {  	_ =	shalt  }
0x7a: {  	_ =	shalt  }
0x7b: {  	_ =	shalt  }
0x7c: {  	_ =	shalt  }
0x7d: {  	_ =	shalt  }
0x7e: {  	_ =	shalt  }
0x7f: {  	_ =	shalt  }
0x80: {  	_ =	shalt  }
0x81: {  	_ =	shalt  }
0x82: {  	_ =	shalt  }
0x83: {  	_ =	shalt  }
0x84: {  	_ =	shalt  }
0x85: {  	_ =	shalt  }
0x86: {  	_ =	shalt  }
0x87: {  	_ =	shalt  }
.Lfunc_end0:
.L_simem_size_0:
called_computation_lowered:
.L_overlay_start_0:
0x88: {  	s2 =	sld [smem:$0x3FD9]  }
0x89: {  	s3 =	sld [smem:$0x3FFE];
	_ =	sdelay $0x1  }
0x8a: {  	s1 =	srdreg.scid  }
0x8b: {  	s0 =	sand.u32 $0x1, s1  }
0x8c: {  	s17 =	sshll.u32 s0, $0xA;
	s2 =	sadd.s32 s3, s2  }
0x8d: {  	s2 =	sadd.s32 s2, s17  }
0x8e: {  	[smem:$0x3FC0] =	sst s2  }
0x8f: {  	_ = 	snop  }
0x90: {  	s2 =	sld [smem:$0x3FD0];
	(tm) =	ssettm $0x1  }
0x91: {  	s18 =	sld [smem:$0x3FFB];
	_ =	sdelay $0x3  }
0x92: {  	_ =	strace s18  }
0x93: {  	s3 =	sld [smem:$0x3FFC];
	_ =	sdelay $0x3  }
0x94: {  	_ =	strace s3  }
0x95: {  	s3 =	sld [smem:$0x3FFD];
	_ =	sdelay $0x3  }
0x96: {  	_ =	strace s3  }
0x97: {  	_ =	strace $0x8FFFFFFF  }
0x98: {  	s19 =	sld [smem:$0x3FDB];
	_ =	sdelay $0x1  }
0x99: {  	s4 =	simm.s32 $_scs_section_size  }
0x9a: {  	s5 =	simm.s32 $_size__tile_overlayer_lowered;
	s6 =	simm.s32 $_tile_overlayer_lowered  }
0x9b: {  	s22 =	simm.s32 $0x1BFF;
	s21 =	sshll.u32 s6, $0x1;
	s3 =	sadd.s32 s4, s19  }
0x9c: {  	s7 =	simm.s32 $0x0;
	s20 =	sshll.u32 s5, $0x1;
	s5 =	sadd.s32 s21, s3  }
0x9d: {  	[timem:s7], [sflag:s22] =	dma.local [hbm:s5], s20  }
0x9e: {  	_ =	swait.ge [sflag:s22], s20  }
0x9f: {  	s4 =	ssub.s32 $0x0, s20;
	[sflag:s22] =	ssyncset.done $0x0  }
0xa0: {  	[sflag:s22] =	ssyncadd.s32 s4;
	_ =	sdelay $0x1  }
0xa1: {  	s23 =	simm.s32 $0x1B8B  }
0xa2: {  	_ =	swait.ge [sflag:s23], $0x1  }
0xa3: {  	[sflag:s23] =	ssyncset.done $0x0  }
0xa4: {  	s25 =	simm.s32 $0x1B8E;
	s24 =	sld [smem:$0x3FFE];
	[sflag:s23] =	ssyncadd.s32 $0xFFFFFFFF  }
0xa5: {  	s26 =	simm.s32 $execute0_lowered;
	[smem:$0x3FD2] =	sst s25  }
0xa6: {  	s5 =	sshll.u32 s26, $0x1;
	_ =	strace $0x80000046;
	[dreg:$0x1] =	wrdreg $0xFFFFFFFF  }
0xa7: {  	s28 =	simm.s32 $_size_execute0_lowered;
	s3 =	sadd.s32 s3, s5;
	[dreg:$0x0] =	wrdreg $0x0  }
0xa8: {  	s5 =	sshll.u32 s28, $0x1;
	[dreg:$0x2] =	wrdreg s3  }
0xa9: {  	[dreg:$0x3] =	wrdreg s5  }
0xaa: {  	[dreg:$0x4] =	wrdreg $0xC0  }
0xab: {  	_ =	task [dreg:s7], $0x5FFFF  }
0xac: {  	[dreg:$0x1] =	wrdreg $0xFFFFFFFF  }
0xad: {  	[dreg:$0x0] =	wrdreg $0x60  }
0xae: {  	[dreg:$0x2] =	wrdreg s24  }
0xaf: {  	[dreg:$0x3] =	wrdreg s2  }
0xb0: {  	[dreg:$0x4] =	wrdreg $0x70000  }
0xb1: {  	[dreg:$0x5] =	wrdreg $0x9  }
0xb2: {  	_ =	task.clear_ibuf [dreg:s7], $0x6FFFF;
	_ =	strace $0x90000046  }
0xb3: {  	s29 =	simm.s32 $0x9;
	_ =	strace $0x80000048  }
0xb4: {  	_ =	swait.ge [sflag:s29], $0x1  }
0xb5: {  	[sflag:s29] =	ssyncadd.s32 $0xFFFFFFFF  }
0xb6: {  	_ =	strace $0x90000048  }
0xb7: {  	_ =	sfence  }
0xb8: {  	s30 =	sld [smem:$0x0];
	_ =	sdelay $0x2  }
0xb9: {  	s31 =	sshll.u32 s1, $0xD;
	s1 =	sshrl.u32 s1, $0x2  }
0xba: {  	s3 =	sand.u32 $0x4000, s31;
	s1 =	sadd.s32 s1, s30  }
0xbb: {  	s0 =	sor.u32 s3, s0;
	s1 =	sshll.u32 s1, $0x11  }
0xbc: {  	s0 =	sor.u32 s1, s0  }
0xbd: {  	s0 =	sadd.s32 $0x8F2B, s0  }
0xbe: {  	[sflag:s0] =	ssyncadd.remote.s32 $0x1  }
0xbf: {  	_ =	sfence.sel $0xFFFF  }
0xc0: {  	[dreg:$0x0] =	wrdreg $0xFFFFFFFF;
	(pc) =	sbr.abs _section_cstart, $3  }
0xc1: {  	[dreg:$0x1] =	wrdreg $0xFFFFFFFF  }
0xc2: {  	_ =	task.clear_ibuf [dreg:s7], $0x2FFFF;
	_ =	strace $0x9FFFFFFF  }
0xc3: {  	(tm) =	ssettm $0x7FFFFFFF  }
tec
execute0_lowered:
.L_overlay_start_1:
0x0: {  	(tag) =	ssettag $0x1  }
0x1: {  	s5 =	rddreg [dreg:$0x0]  }
0x2: {  	s0 =	srdreg.scid;
	s2 =	rddreg [dreg:$0x1]  }
0x3: {  	s3 =	rddreg [dreg:$0x2];
	s6 =	sand.u32 $0x1, s0  }
0x4: {  	s0 =	stileid.u32;
	s7 =	smul.u32 $0x50000, s6  }
0x5: {  	s1 =	rddreg [dreg:$0x3];
	s8 =	smul.u32 $0x5000, s0  }
0x6: {  	s4 =	simm.s32 $0x0;
	s12 =	simm.s32 $0x5000;
	s9 =	smul.u32 $0x13C000, s6  }
0x7: {  	s13 =	simm.s32 $0x0;
	[smem:$0x7FF] =	sst s4;
	s10 =	smul.u32 $0x13C00, s0  }
0x8: {  	_ =	strace $0x80000047;
	s28 =	smul.u32 $0x4F000, s0;
	s6 =	ssub.s32 $0x2, s6  }
0x9: {  	s31 =	sshll.u32 s0, $0x6;
	s29 =	sshrl.u32 s6, $0x1;
	s7 =	sadd.s32 s8, s7  }
0xa: {  	s26 =	sadd.s32 s10, s9;
	s9 =	sshrl.u32 s28, $0x2;
	s30 =	ssub.s32 s6, s29  }
0xb: {  	s7 =	sshrl.u32 s7, $0x3;
	s8 =	sshrl.u32 s26, $0x3;
	s11 =	sadd.s32 s9, s3  }
0xc: {  	s9 =	sor.u32 $0x1C01, s31;
	s7 =	sadd.s32 s7, s5;
	s8 =	sadd.s32 s8, s5  }
0xd: {  	s10 =	sshrl.u32 s11, $0x3;
	s11 =	simm.s32 $0x40;
	s5 =	sadd.s32 $0x3400, s7  }
0xe: {  	v0 =	vimm.f32 $1.000000000e+00;
	s6 =	sadd.s32 $0x17400, s8;
	s7 =	smax.u32 s30, $0x1;
	s8 =	simm.s32 $0x1  }
.LBB2_1:
0xf: {  	[tilespmem:s4], [sflag:$0x1] =	stream.linear.gather [hbm4b:s5+s4], $0x5000, $0x38;
	[tilespmem:$0x9780] =	vst v63  }
0x10: {  	_ =	swait.ge [sflag:s8], $0x5000  }
0x11: {  	[sflag:s8] =	ssyncset.done $0x0  }
0x12: {  	s14 =	simm.s32 $0x200;
	s15 =	simm.s32 $0x0;
	[sflag:s8] =	ssyncadd.s32 $0xFFFFB000  }
.LBB2_2:
0x13: {  	p0 =	sne.s32 s14, $0x7E00;
	[tilespmem:s15+$0x5000] =	vst v0;
	s15 =	smov.u32 s14;
	s14 =	sadd.s32 $0x200, s14  }
.Ltmp0:
0x14: {  	(pc) =	sbr.rel @p0 .LBB2_2-.Ltmp0, $2  }
0x15: {  	_ =	sdelay $0x2  }
0x16: {  	s15 =	sshra.s32 s15, $0x2  }
0x17: {  	[tilespmem:s15+$0x5000] =	vst v0  }
0x18: {  	[spmem:s10], [sflag:s9] =	dma.local [hbm:s2], $0x2780  }
0x19: {  	_ =	swait.ge [sflag:s8], $0x2780  }
0x1a: {  	[sflag:s8] =	ssyncset.done $0x0  }
0x1b: {  	[sflag:s8] =	ssyncadd.s32 $0xFFFFD880  }
0x1c: {  	s14 =	simm.s32 $0x0;
	[bflag:$0x0] =	sbarrier.arrive $0xFFFF  }
0x1d: {  	[spmem:s3] =	stream.indirect.scatter.add.f32 [tilespmem:s12], [sflag:$0x1], $0x10, s14, s11, $0xb8;
	[tilespmem:$0x9780] =	vst v63  }
0x1e: {  	_ =	swait.ge [sflag:s8], $0x400  }
0x1f: {  	s14 =	simm.s32 $0x200;
	[sflag:s8] =	ssyncset.done $0x0  }
.LBB2_4:
0x20: {  	s15 =	sshra.s32 s14, $0x2;
	[sflag:s8] =	ssyncadd.s32 $0xFFFFFC00;
	p0 =	sne.s32 s14, $0x13E00  }
0x21: {  	[spmem:s3] =	stream.indirect.scatter.add.f32 [tilespmem:s12], [sflag:$0x1], $0x10, s15, s11, $0xb8;
	[tilespmem:$0x9780] =	vst v63  }
.Ltmp1:
0x22: {  	_ = 	snop;
	(pc) =	sbr.rel @p0 .LBB2_4-.Ltmp1, $4  }
0x23: {  	_ = 	snop  }
0x24: {  	s14 =	sadd.s32 $0x200, s14  }
0x25: {  	_ =	swait.ge [sflag:s8], $0x400  }
0x26: {  	[sflag:s8] =	ssyncset.done $0x0  }
0x27: {  	s13 =	sadd.s32 $0x1, s13  }
0x28: {  	[sflag:s8] =	ssyncadd.s32 $0xFFFFFC00;
	p0 =	sne.s32 s13, s7  }
.Ltmp2:
0x29: {  	[bflag:$0x0] =	sbarrier.arrive $0xFFFF;
	(pc) =	sbr.rel @p0 .LBB2_1-.Ltmp2, $4  }
0x2a: {  	[hbm:s6], [sflag:s9] =	dma.local [spmem:s10], $0x2780  }
0x2b: {  	_ =	swait.ge [sflag:s8], $0x2780  }
0x2c: {  	[sflag:s8] =	ssyncset.done $0x0  }
0x2d: {  	[sflag:s8] =	ssyncadd.s32 $0xFFFFD880  }
0x2e: {  	_ =	sfence.sel $0x180000  }
0x2f: {  	[bflag:$0x0] =	sbarrier.arrive $0xFFFF  }
0x30: {  	p0 =	sne.s32 s0, $0x0;
	_ =	strace $0x90000047  }
0x31: {  	s0 =	sadd.s32 @!p0 $0x100000, s1;
	[bflag:$0x2] =	sbarrier.arrive $0xFFFF  }
0x32: {  	[sflag:s0] =	ssyncadd.tile.s32 @!p0 $0x1;
	_ =	shalt  }
.Lfunc_end2:
_tile_overlayer_lowered:
.L_overlay_start_2:
0x33: {  	(tag) =	ssettag $0x2  }
0x34: {  	s0 =	rddreg [dreg:$0x0];
	s2 =	stileid.u32  }
0x35: {  	s1 =	rddreg [dreg:$0x1];
	p0 =	sne.s32 s2, $0x0  }
0x36: {  	s3 =	rddreg [dreg:$0x2];
	[bflag:$0x3] =	sbarrier.arrive $0xFFFF;
	s2 =	simm.s32 @!p0 $0x1C01  }
0x37: {  	[timem:s3], [sflag:s2] =	dma.local @!p0 [hbm:s0], s1  }
0x38: {  	s0 =	simm.s32 @!p0 $0x1  }
0x39: {  	_ =	swait.ge @!p0 [sflag:s0], s1  }
0x3a: {  	s1 =	ssub.s32 @!p0 $0x0, s1;
	[sflag:s0] =	ssyncset.done @!p0 $0x0  }
0x3b: {  	[sflag:s0] =	ssyncadd.s32 @!p0 s1  }
0x3c: {  	[bflag:$0x3] =	sbarrier.arrive $0xFFFF  }
0x3d: {  	_ =	shalt  }

// kernel: kernel.13.cloned.1.call-start
scs
__scs_entry_jumppad:
0x0: {  	(pc) =	sbr.rel $0x88, $3  }
0x1: {  	(tag) =	ssettag $0x0;
	lr =	simm.s32 $0x1  }
0x2: {  	[smem:$0x3F99] =	sst lr;
	_ =	strace $0xD0000000  }
0x3: {  	_ = 	snop  }
0x4: {  	_ = 	snop  }
0x5: {  	_ = 	snop  }
0x6: {  	_ = 	snop  }
0x7: {  	_ = 	snop  }
__scs_overlays_trampoline_lowered:
0x8: {  	[smem:$0x3FA8] =	sst s0  }
0x9: {  	[smem:$0x3FA9] =	sst s1  }
0xa: {  	[smem:$0x3FAA] =	sst s2  }
0xb: {  	[smem:$0x3FAB] =	sst s3  }
0xc: {  	[smem:$0x3FAC] =	sst s4  }
0xd: {  	[smem:$0x3FAD] =	sst s5  }
0xe: {  	[smem:$0x3FAE] =	sst s6  }
0xf: {  	[smem:$0x3FAF] =	sst s7  }
0x10: {  	[smem:$0x3FB0] =	sst s8  }
0x11: {  	[smem:$0x3FB1] =	sst s9;
	s0 =	simm.s32 @!p0 $0x0  }
0x12: {  	s1 =	sld [smem:$0x3F97];
	s0 =	simm.s32 @p0 $0x1  }
0x13: {  	[smem:$0x3FB2] =	sst s0;
	s0 =	simm.s32 @!p1 $0x0  }
0x14: {  	s2 =	sld [smem:$0x3F96];
	s0 =	simm.s32 @p1 $0x1  }
0x15: {  	[smem:$0x3FB3] =	sst s0;
	s0 =	simm.s32 @!p2 $0x0  }
0x16: {  	s3 =	sld [smem:$0x3FDB];
	s0 =	simm.s32 @p2 $0x1  }
0x17: {  	s4 =	simm.s32 $0x1BF5;
	[smem:$0x3FB5] =	sst s0  }
0x18: {  	s0 =	sld [smem:$0x3F98];
	_ =	swait.ge [sflag:s4], $0x0  }
0x19: {  	s7 =	sld [smem:$0x3F99]  }
0x1a: {  	s8 =	sadd.s32 $0xFFFFE003, lr  }
0x1b: {  	s9 =	sadd.s32 $0xFFFFFEF7, lr;
	s5 =	simm.s32 $0xFFFFFFFF;
	p2 =	slt.u32 s8, $0xFFFFF086  }
0x1c: {  	p1 =	slt.u32 s9, $0xF7A;
	s5 =	simm.s32 @!p2 $0x0  }
0x1d: {  	s5 =	simm.s32 @p1 $0x1;
	p0 =	seq.s32 s7, s2  }
0x1e: {  	s7 =	smul.u32 @!p0 $0xF7A, s2;
	p2 =	seq.s32 @!p0 s5, $0x0  }
0x1f: {  	s9 =	smul.u32 $0xF7A, s1;
	s8 =	simm.s32 @!p0 $0x1BF5;
	p2 =	por !p2, p0  }
0x20: {  	[sflag:s8] =	ssyncset.s32 @!p0 $0xFFFFF086;
	s6 =	sadd.s32 @!p0 s3, s7;
	s7 =	simm.s32 @!p0 $0x108  }
0x21: {  	s3 =	sadd.s32 s3, s9;
	s6 =	sadd.s32 @!p0 $0x88, s6;
	s7 =	simm.s32 @p2 $0x1082  }
0x22: {  	[simem:s7], [sflag:s8] =	dma.local @!p0 [hbm:s6], $0xF7A  }
0x23: {  	s9 =	sor.u32 $0xD0000000, s2;
	s6 =	simm.s32 $0x108;
	_ =	swait.ge @!p0 [sflag:s8], $0x0  }
0x24: {  	s3 =	sadd.s32 $0x88, s3;
	s6 =	simm.s32 @!p1 $0x1082;
	[sflag:s4] =	ssyncset.s32 $0xFFFFF086  }
0x25: {  	[simem:s6], [sflag:s4] =	dma.local [hbm:s3], $0xF7A  }
0x26: {  	[smem:$0x3F99] =	sst s1;
	(tag) =	ssettag s2;
	_ =	strace s9  }
0x27: {  	s1 =	sld [smem:$0x3FA9]  }
0x28: {  	s2 =	sld [smem:$0x3FAA]  }
0x29: {  	s4 =	sld [smem:$0x3FAC]  }
0x2a: {  	p0 =	seq.s32 s5, $0x0;
	s5 =	sld [smem:$0x3FAD]  }
0x2b: {  	s6 =	sld [smem:$0x3FAE]  }
0x2c: {  	s7 =	sld [smem:$0x3FAF]  }
0x2d: {  	s3 =	simm.s32 $0x108;
	s8 =	sld [smem:$0x3FB0]  }
0x2e: {  	s3 =	simm.s32 @!p0 $0x1082;
	s9 =	sld [smem:$0x3FB1]  }
0x2f: {  	lr =	sadd.s32 s0, s3;
	s0 =	sld [smem:$0x3FA8]  }
0x30: {  	s3 =	sld [smem:$0x3FAB]  }
0x31: {  	[smem:$0x3FB4] =	sst s10  }
0x32: {  	s10 =	sld [smem:$0x3FB2];
	_ =	sdelay $0x3  }
0x33: {  	p0 =	seq.s32 s10, $0x1;
	s10 =	sld [smem:$0x3FB4];
	_ =	sdelay $0x3  }
0x34: {  	[smem:$0x3FB4] =	sst s10  }
0x35: {  	s10 =	sld [smem:$0x3FB3];
	_ =	sdelay $0x3  }
0x36: {  	p1 =	seq.s32 s10, $0x1;
	s10 =	sld [smem:$0x3FB4];
	_ =	sdelay $0x3  }
0x37: {  	[smem:$0x3FB4] =	sst s10  }
0x38: {  	s10 =	sld [smem:$0x3FB5]  }
0x39: {  	_ = 	snop;
	(pc) =	sbr.ind lr, $3  }
0x3a: {  	_ = 	snop  }
0x3b: {  	_ = 	snop  }
0x3c: {  	p2 =	seq.s32 s10, $0x1;
	s10 =	sld [smem:$0x3FB4]  }
0x3d: {  	_ =	shalt  }
0x3e: {  	_ =	shalt  }
0x3f: {  	_ =	shalt  }
0x40: {  	_ =	shalt  }
0x41: {  	_ =	shalt  }
0x42: {  	_ =	shalt  }
0x43: {  	_ =	shalt  }
0x44: {  	_ =	shalt  }
0x45: {  	_ =	shalt  }
0x46: {  	_ =	shalt  }
0x47: {  	_ =	shalt  }
0x48: {  	_ =	shalt  }
0x49: {  	_ =	shalt  }
0x4a: {  	_ =	shalt  }
0x4b: {  	_ =	shalt  }
0x4c: {  	_ =	shalt  }
0x4d: {  	_ =	shalt  }
0x4e: {  	_ =	shalt  }
0x4f: {  	_ =	shalt  }
0x50: {  	_ =	shalt  }
0x51: {  	_ =	shalt  }
0x52: {  	_ =	shalt  }
0x53: {  	_ =	shalt  }
0x54: {  	_ =	shalt  }
0x55: {  	_ =	shalt  }
0x56: {  	_ =	shalt  }
0x57: {  	_ =	shalt  }
0x58: {  	_ =	shalt  }
0x59: {  	_ =	shalt  }
0x5a: {  	_ =	shalt  }
0x5b: {  	_ =	shalt  }
0x5c: {  	_ =	shalt  }
0x5d: {  	_ =	shalt  }
0x5e: {  	_ =	shalt  }
0x5f: {  	_ =	shalt  }
0x60: {  	_ =	shalt  }
0x61: {  	_ =	shalt  }
0x62: {  	_ =	shalt  }
0x63: {  	_ =	shalt  }
0x64: {  	_ =	shalt  }
0x65: {  	_ =	shalt  }
0x66: {  	_ =	shalt  }
0x67: {  	_ =	shalt  }
0x68: {  	_ =	shalt  }
0x69: {  	_ =	shalt  }
0x6a: {  	_ =	shalt  }
0x6b: {  	_ =	shalt  }
0x6c: {  	_ =	shalt  }
0x6d: {  	_ =	shalt  }
0x6e: {  	_ =	shalt  }
0x6f: {  	_ =	shalt  }
0x70: {  	_ =	shalt  }
0x71: {  	_ =	shalt  }
0x72: {  	_ =	shalt  }
0x73: {  	_ =	shalt  }
0x74: {  	_ =	shalt  }
0x75: {  	_ =	shalt  }
0x76: {  	_ =	shalt  }
0x77: {  	_ =	shalt  }
0x78: {  	_ =	shalt  }
0x79: {  	_ =	shalt  }
0x7a: {  	_ =	shalt  }
0x7b: {  	_ =	shalt  }
0x7c: {  	_ =	shalt  }
0x7d: {  	_ =	shalt  }
0x7e: {  	_ =	shalt  }
0x7f: {  	_ =	shalt  }
0x80: {  	_ =	shalt  }
0x81: {  	_ =	shalt  }
0x82: {  	_ =	shalt  }
0x83: {  	_ =	shalt  }
0x84: {  	_ =	shalt  }
0x85: {  	_ =	shalt  }
0x86: {  	_ =	shalt  }
0x87: {  	_ =	shalt  }
.Lfunc_end0:
.L_simem_size_0:
called_computation.1_lowered:
.L_overlay_start_0:
0x88: {  	s2 =	sld [smem:$0x3FD9]  }
0x89: {  	s3 =	sld [smem:$0x3FFE];
	_ =	sdelay $0x1  }
0x8a: {  	s1 =	srdreg.scid  }
0x8b: {  	s0 =	sand.u32 $0x1, s1  }
0x8c: {  	s17 =	sshll.u32 s0, $0xA;
	s2 =	sadd.s32 s3, s2  }
0x8d: {  	s2 =	sadd.s32 s2, s17  }
0x8e: {  	[smem:$0x3FC0] =	sst s2  }
0x8f: {  	_ = 	snop  }
0x90: {  	s2 =	sld [smem:$0x3FD0];
	(tm) =	ssettm $0x1  }
0x91: {  	s18 =	sld [smem:$0x3FFB];
	_ =	sdelay $0x3  }
0x92: {  	_ =	strace s18  }
0x93: {  	s3 =	sld [smem:$0x3FFC];
	_ =	sdelay $0x3  }
0x94: {  	_ =	strace s3  }
0x95: {  	s3 =	sld [smem:$0x3FFD];
	_ =	sdelay $0x3  }
0x96: {  	_ =	strace s3  }
0x97: {  	_ =	strace $0x8FFFFFFF  }
0x98: {  	s19 =	sld [smem:$0x3FDB];
	_ =	sdelay $0x1  }
0x99: {  	s4 =	simm.s32 $_scs_section_size  }
0x9a: {  	s5 =	simm.s32 $_size__tile_overlayer_lowered;
	s6 =	simm.s32 $_tile_overlayer_lowered  }
0x9b: {  	s22 =	simm.s32 $0x1BFF;
	s21 =	sshll.u32 s6, $0x1;
	s3 =	sadd.s32 s4, s19  }
0x9c: {  	s7 =	simm.s32 $0x0;
	s20 =	sshll.u32 s5, $0x1;
	s5 =	sadd.s32 s21, s3  }
0x9d: {  	[timem:s7], [sflag:s22] =	dma.local [hbm:s5], s20  }
0x9e: {  	_ =	swait.ge [sflag:s22], s20  }
0x9f: {  	s4 =	ssub.s32 $0x0, s20;
	[sflag:s22] =	ssyncset.done $0x0  }
0xa0: {  	[sflag:s22] =	ssyncadd.s32 s4;
	_ =	sdelay $0x1  }
0xa1: {  	s23 =	simm.s32 $0x1B8B  }
0xa2: {  	_ =	swait.ge [sflag:s23], $0x1  }
0xa3: {  	[sflag:s23] =	ssyncset.done $0x0  }
0xa4: {  	s25 =	simm.s32 $0x1B8E;
	s24 =	sld [smem:$0x3FFE];
	[sflag:s23] =	ssyncadd.s32 $0xFFFFFFFF  }
0xa5: {  	s26 =	simm.s32 $execute0_lowered;
	[smem:$0x3FD2] =	sst s25  }
0xa6: {  	s5 =	sshll.u32 s26, $0x1;
	_ =	strace $0x80000049;
	[dreg:$0x1] =	wrdreg $0xFFFFFFFF  }
0xa7: {  	s28 =	simm.s32 $_size_execute0_lowered;
	s3 =	sadd.s32 s3, s5;
	[dreg:$0x0] =	wrdreg $0x0  }
0xa8: {  	s5 =	sshll.u32 s28, $0x1;
	[dreg:$0x2] =	wrdreg s3  }
0xa9: {  	[dreg:$0x3] =	wrdreg s5  }
0xaa: {  	[dreg:$0x4] =	wrdreg $0xC0  }
0xab: {  	_ =	task [dreg:s7], $0x5FFFF  }
0xac: {  	[dreg:$0x1] =	wrdreg $0xFFFFFFFF  }
0xad: {  	[dreg:$0x0] =	wrdreg $0x60  }
0xae: {  	[dreg:$0x2] =	wrdreg s2  }
0xaf: {  	[dreg:$0x3] =	wrdreg s24  }
0xb0: {  	[dreg:$0x4] =	wrdreg $0xC0000  }
0xb1: {  	[dreg:$0x5] =	wrdreg $0x9  }
0xb2: {  	_ =	task.clear_ibuf [dreg:s7], $0x6FFFF;
	_ =	strace $0x90000049  }
0xb3: {  	s29 =	simm.s32 $0x9;
	_ =	strace $0x8000004B  }
0xb4: {  	_ =	swait.ge [sflag:s29], $0x1  }
0xb5: {  	[sflag:s29] =	ssyncadd.s32 $0xFFFFFFFF  }
0xb6: {  	_ =	strace $0x9000004B  }
0xb7: {  	_ =	sfence  }
0xb8: {  	s30 =	sld [smem:$0x0];
	_ =	sdelay $0x2  }
0xb9: {  	s31 =	sshll.u32 s1, $0xD;
	s1 =	sshrl.u32 s1, $0x2  }
0xba: {  	s3 =	sand.u32 $0x4000, s31;
	s1 =	sadd.s32 s1, s30  }
0xbb: {  	s0 =	sor.u32 s3, s0;
	s1 =	sshll.u32 s1, $0x11  }
0xbc: {  	s0 =	sor.u32 s1, s0  }
0xbd: {  	s0 =	sadd.s32 $0x8F2B, s0  }
0xbe: {  	[sflag:s0] =	ssyncadd.remote.s32 $0x1  }
0xbf: {  	_ =	sfence.sel $0xFFFF  }
0xc0: {  	[dreg:$0x0] =	wrdreg $0xFFFFFFFF;
	(pc) =	sbr.abs _section_cstart, $3  }
0xc1: {  	[dreg:$0x1] =	wrdreg $0xFFFFFFFF  }
0xc2: {  	_ =	task.clear_ibuf [dreg:s7], $0x2FFFF;
	_ =	strace $0x9FFFFFFF  }
0xc3: {  	(tm) =	ssettm $0x7FFFFFFF  }
tec
execute0_lowered:
.L_overlay_start_1:
0x0: {  	(tag) =	ssettag $0x1  }
0x1: {  	s1 =	rddreg [dreg:$0x0]  }
0x2: {  	s6 =	rddreg [dreg:$0x1]  }
0x3: {  	s0 =	srdreg.scid;
	s3 =	rddreg [dreg:$0x2]  }
0x4: {  	s2 =	rddreg [dreg:$0x3];
	s4 =	simm.s32 $0x0;
	s5 =	sand.u32 $0x1, s0  }
0x5: {  	s14 =	simm.s32 $0x40;
	s0 =	stileid.u32;
	s7 =	smul.u32 $0x50000, s5  }
0x6: {  	s15 =	simm.s32 $0xA000;
	s16 =	simm.s32 $0x1;
	s8 =	smul.u32 $0x5000, s0  }
0x7: {  	s17 =	simm.s32 $0x0;
	[smem:$0x7FF] =	sst s4;
	s9 =	smul.u32 $0x13C000, s5  }
0x8: {  	s29 =	smul.u32 $0x13C00, s0;
	_ =	strace $0x8000004A;
	s30 =	ssub.s32 $0x2, s5  }
0x9: {  	s11 =	smul.u32 $0x4F000, s0;
	s5 =	sadd.s32 $0x17400, s6;
	s12 =	sshll.u32 s0, $0x6  }
0xa: {  	s10 =	sshrl.u32 s30, $0x1;
	s12 =	sor.u32 $0x1C02, s12;
	s7 =	sadd.s32 s8, s7  }
0xb: {  	s8 =	sadd.s32 s29, s9;
	s9 =	ssub.s32 s30, s10;
	s31 =	sshrl.u32 s11, $0x2  }
0xc: {  	s10 =	simm.s32 $0x2;
	s11 =	simm.s32 $0x5000;
	s7 =	sshrl.u32 s7, $0x3  }
0xd: {  	s8 =	sshrl.u32 s8, $0x3;
	s13 =	sadd.s32 s31, s3;
	s9 =	smax.u32 s9, $0x1  }
0xe: {  	s7 =	sadd.s32 s7, s6;
	s8 =	sadd.s32 s8, s6;
	s13 =	sshrl.u32 s13, $0x3  }
0xf: {  	s6 =	sadd.s32 $0x66400, s7;
	s7 =	sadd.s32 $0x3400, s7;
	s8 =	sadd.s32 $0x7A400, s8  }
.LBB2_1:
0x10: {  	[tilespmem:s4], [sflag:$0x2] =	stream.linear.gather [hbm4b:s6+s4], $0x5000, $0x38;
	[tilespmem:$0x1FC00] =	vst v63  }
0x11: {  	_ =	swait.ge [sflag:s10], $0x5000  }
0x12: {  	[sflag:s10] =	ssyncset.done $0x0  }
0x13: {  	[sflag:s10] =	ssyncadd.s32 $0xFFFFB000  }
0x14: {  	[tilespmem:s11], [sflag:$0x2] =	stream.linear.gather [hbm4b:s7+s4], $0x5000, $0x38;
	[tilespmem:$0x1FC00] =	vst v63  }
0x15: {  	_ =	swait.ge [sflag:s10], $0x5000  }
0x16: {  	[sflag:s10] =	ssyncset.done $0x0  }
0x17: {  	[sflag:s10] =	ssyncadd.s32 $0xFFFFB000  }
0x18: {  	[spmem:s13], [sflag:s12] =	dma.local [hbm:s5], $0x2780  }
0x19: {  	_ =	swait.ge [sflag:s10], $0x2780  }
0x1a: {  	[sflag:s10] =	ssyncset.done $0x0  }
0x1b: {  	[sflag:s10] =	ssyncadd.s32 $0xFFFFD880  }
0x1c: {  	s18 =	simm.s32 $0x0;
	[bflag:$0x0] =	sbarrier.arrive $0xFFFF  }
0x1d: {  	[tilespmem:s15], [sflag:$0x1] =	stream.indirect.gather [hbm4b:s1+s14], $0x80, s18, s14, $0xb8;
	[tilespmem:$0x1FC00] =	vst v63  }
0x1e: {  	_ =	swait.ge [sflag:s16], $0x2000  }
0x1f: {  	[sflag:s16] =	ssyncset.done $0x0  }
0x20: {  	s31 =	simm.s32 $0x5000;
	[sflag:s16] =	ssyncadd.s32 $0xFFFFE000  }
0x21: {  	[spmem:s3] =	stream.indirect.scatter.add.f32 [tilespmem:s15], [sflag:$0x2], $0x80, s31, s14, $0xb8;
	[tilespmem:$0x1FC00] =	vst v63  }
0x22: {  	_ =	swait.ge [sflag:s10], $0x2000  }
0x23: {  	s19 =	simm.s32 $0x400;
	s18 =	simm.s32 $0x200;
	[sflag:s10] =	ssyncset.done $0x0  }
.LBB2_2:
0x24: {  	s20 =	sshra.s32 s18, $0x2  }
0x25: {  	[sflag:s10] =	ssyncadd.s32 $0xFFFFE000;
	s18 =	smov.u32 s19;
	s21 =	sadd.s32 $0x200, s19  }
0x26: {  	[tilespmem:s15], [sflag:$0x1] =	stream.indirect.gather [hbm4b:s1+s14], $0x80, s20, s14, $0xb8;
	[tilespmem:$0x1FC00] =	vst v63  }
0x27: {  	p0 =	sne.s32 s19, $0x13E00;
	_ =	swait.ge [sflag:s16], $0x2000  }
.Ltmp0:
0x28: {  	[sflag:s16] =	ssyncset.done $0x0;
	(pc) =	sbr.rel @p0 .LBB2_2-.Ltmp0, $4  }
0x29: {  	s19 =	sadd.s32 $0x5000, s20;
	[sflag:s16] =	ssyncadd.s32 $0xFFFFE000  }
0x2a: {  	[spmem:s3] =	stream.indirect.scatter.add.f32 [tilespmem:s15], [sflag:$0x2], $0x80, s19, s14, $0xb8;
	[tilespmem:$0x1FC00] =	vst v63  }
0x2b: {  	_ =	swait.ge [sflag:s10], $0x2000  }
0x2c: {  	s19 =	smov.u32 s21;
	[sflag:s10] =	ssyncset.done $0x0  }
0x2d: {  	s18 =	sshra.s32 s18, $0x2;
	[sflag:s10] =	ssyncadd.s32 $0xFFFFE000  }
0x2e: {  	[tilespmem:s15], [sflag:$0x1] =	stream.indirect.gather [hbm4b:s1+s14], $0x80, s18, s14, $0xb8;
	[tilespmem:$0x1FC00] =	vst v63  }
0x2f: {  	_ =	swait.ge [sflag:s16], $0x2000  }
0x30: {  	[sflag:s16] =	ssyncset.done $0x0  }
0x31: {  	s18 =	sadd.s32 $0x5000, s18;
	[sflag:s16] =	ssyncadd.s32 $0xFFFFE000  }
0x32: {  	[spmem:s3] =	stream.indirect.scatter.add.f32 [tilespmem:s15], [sflag:$0x2], $0x80, s18, s14, $0xb8;
	[tilespmem:$0x1FC00] =	vst v63  }
0x33: {  	_ =	swait.ge [sflag:s10], $0x2000  }
0x34: {  	s17 =	sadd.s32 $0x1, s17;
	[sflag:s10] =	ssyncset.done $0x0  }
0x35: {  	p0 =	sne.s32 s17, s9;
	[sflag:s10] =	ssyncadd.s32 $0xFFFFE000  }
.Ltmp1:
0x36: {  	[bflag:$0x0] =	sbarrier.arrive $0xFFFF;
	(pc) =	sbr.rel @p0 .LBB2_1-.Ltmp1, $4  }
0x37: {  	[hbm:s8], [sflag:s12] =	dma.local [spmem:s13], $0x2780  }
0x38: {  	_ =	swait.ge [sflag:s10], $0x2780  }
0x39: {  	[sflag:s10] =	ssyncset.done $0x0  }
0x3a: {  	[sflag:s10] =	ssyncadd.s32 $0xFFFFD880  }
0x3b: {  	_ =	sfence.sel $0x180000  }
0x3c: {  	[bflag:$0x0] =	sbarrier.arrive $0xFFFF  }
0x3d: {  	p0 =	sne.s32 s0, $0x0;
	_ =	strace $0x9000004A  }
0x3e: {  	s0 =	sadd.s32 @!p0 $0x100000, s2;
	[bflag:$0x2] =	sbarrier.arrive $0xFFFF  }
0x3f: {  	[sflag:s0] =	ssyncadd.tile.s32 @!p0 $0x1;
	_ =	shalt  }
.Lfunc_end2:
_tile_overlayer_lowered:
.L_overlay_start_2:
0x40: {  	(tag) =	ssettag $0x2  }
0x41: {  	s0 =	rddreg [dreg:$0x0];
	s2 =	stileid.u32  }
0x42: {  	s1 =	rddreg [dreg:$0x1];
	p0 =	sne.s32 s2, $0x0  }
0x43: {  	s3 =	rddreg [dreg:$0x2];
	[bflag:$0x3] =	sbarrier.arrive $0xFFFF;
	s2 =	simm.s32 @!p0 $0x1C02  }
0x44: {  	[timem:s3], [sflag:s2] =	dma.local @!p0 [hbm:s0], s1  }
0x45: {  	s0 =	simm.s32 @!p0 $0x2  }
0x46: {  	_ =	swait.ge @!p0 [sflag:s0], s1  }
0x47: {  	s1 =	ssub.s32 @!p0 $0x0, s1;
	[sflag:s0] =	ssyncset.done @!p0 $0x0  }
0x48: {  	[sflag:s0] =	ssyncadd.s32 @!p0 s1  }
0x49: {  	[bflag:$0x3] =	sbarrier.arrive $0xFFFF  }
0x4a: {  	_ =	shalt  }

// kernel: kernel.16.cloned.1.call-start
scs
__scs_entry_jumppad:
0x0: {  	(pc) =	sbr.rel $0x88, $3  }
0x1: {  	(tag) =	ssettag $0x0;
	lr =	simm.s32 $0x1  }
0x2: {  	[smem:$0x3F99] =	sst lr;
	_ =	strace $0xD0000000  }
0x3: {  	_ = 	snop  }
0x4: {  	_ = 	snop  }
0x5: {  	_ = 	snop  }
0x6: {  	_ = 	snop  }
0x7: {  	_ = 	snop  }
__scs_overlays_trampoline_lowered:
0x8: {  	[smem:$0x3FA8] =	sst s0  }
0x9: {  	[smem:$0x3FA9] =	sst s1  }
0xa: {  	[smem:$0x3FAA] =	sst s2  }
0xb: {  	[smem:$0x3FAB] =	sst s3  }
0xc: {  	[smem:$0x3FAC] =	sst s4  }
0xd: {  	[smem:$0x3FAD] =	sst s5  }
0xe: {  	[smem:$0x3FAE] =	sst s6  }
0xf: {  	[smem:$0x3FAF] =	sst s7  }
0x10: {  	[smem:$0x3FB0] =	sst s8  }
0x11: {  	[smem:$0x3FB1] =	sst s9;
	s0 =	simm.s32 @!p0 $0x0  }
0x12: {  	s1 =	sld [smem:$0x3F97];
	s0 =	simm.s32 @p0 $0x1  }
0x13: {  	[smem:$0x3FB2] =	sst s0;
	s0 =	simm.s32 @!p1 $0x0  }
0x14: {  	s2 =	sld [smem:$0x3F96];
	s0 =	simm.s32 @p1 $0x1  }
0x15: {  	[smem:$0x3FB3] =	sst s0;
	s0 =	simm.s32 @!p2 $0x0  }
0x16: {  	s3 =	sld [smem:$0x3FDB];
	s0 =	simm.s32 @p2 $0x1  }
0x17: {  	s4 =	simm.s32 $0x1BF5;
	[smem:$0x3FB5] =	sst s0  }
0x18: {  	s0 =	sld [smem:$0x3F98];
	_ =	swait.ge [sflag:s4], $0x0  }
0x19: {  	s7 =	sld [smem:$0x3F99]  }
0x1a: {  	s8 =	sadd.s32 $0xFFFFE003, lr  }
0x1b: {  	s9 =	sadd.s32 $0xFFFFFEF7, lr;
	s5 =	simm.s32 $0xFFFFFFFF;
	p2 =	slt.u32 s8, $0xFFFFF086  }
0x1c: {  	p1 =	slt.u32 s9, $0xF7A;
	s5 =	simm.s32 @!p2 $0x0  }
0x1d: {  	s5 =	simm.s32 @p1 $0x1;
	p0 =	seq.s32 s7, s2  }
0x1e: {  	s7 =	smul.u32 @!p0 $0xF7A, s2;
	p2 =	seq.s32 @!p0 s5, $0x0  }
0x1f: {  	s9 =	smul.u32 $0xF7A, s1;
	s8 =	simm.s32 @!p0 $0x1BF5;
	p2 =	por !p2, p0  }
0x20: {  	[sflag:s8] =	ssyncset.s32 @!p0 $0xFFFFF086;
	s6 =	sadd.s32 @!p0 s3, s7;
	s7 =	simm.s32 @!p0 $0x108  }
0x21: {  	s3 =	sadd.s32 s3, s9;
	s6 =	sadd.s32 @!p0 $0x88, s6;
	s7 =	simm.s32 @p2 $0x1082  }
0x22: {  	[simem:s7], [sflag:s8] =	dma.local @!p0 [hbm:s6], $0xF7A  }
0x23: {  	s9 =	sor.u32 $0xD0000000, s2;
	s6 =	simm.s32 $0x108;
	_ =	swait.ge @!p0 [sflag:s8], $0x0  }
0x24: {  	s3 =	sadd.s32 $0x88, s3;
	s6 =	simm.s32 @!p1 $0x1082;
	[sflag:s4] =	ssyncset.s32 $0xFFFFF086  }
0x25: {  	[simem:s6], [sflag:s4] =	dma.local [hbm:s3], $0xF7A  }
0x26: {  	[smem:$0x3F99] =	sst s1;
	(tag) =	ssettag s2;
	_ =	strace s9  }
0x27: {  	s1 =	sld [smem:$0x3FA9]  }
0x28: {  	s2 =	sld [smem:$0x3FAA]  }
0x29: {  	s4 =	sld [smem:$0x3FAC]  }
0x2a: {  	p0 =	seq.s32 s5, $0x0;
	s5 =	sld [smem:$0x3FAD]  }
0x2b: {  	s6 =	sld [smem:$0x3FAE]  }
0x2c: {  	s7 =	sld [smem:$0x3FAF]  }
0x2d: {  	s3 =	simm.s32 $0x108;
	s8 =	sld [smem:$0x3FB0]  }
0x2e: {  	s3 =	simm.s32 @!p0 $0x1082;
	s9 =	sld [smem:$0x3FB1]  }
0x2f: {  	lr =	sadd.s32 s0, s3;
	s0 =	sld [smem:$0x3FA8]  }
0x30: {  	s3 =	sld [smem:$0x3FAB]  }
0x31: {  	[smem:$0x3FB4] =	sst s10  }
0x32: {  	s10 =	sld [smem:$0x3FB2];
	_ =	sdelay $0x3  }
0x33: {  	p0 =	seq.s32 s10, $0x1;
	s10 =	sld [smem:$0x3FB4];
	_ =	sdelay $0x3  }
0x34: {  	[smem:$0x3FB4] =	sst s10  }
0x35: {  	s10 =	sld [smem:$0x3FB3];
	_ =	sdelay $0x3  }
0x36: {  	p1 =	seq.s32 s10, $0x1;
	s10 =	sld [smem:$0x3FB4];
	_ =	sdelay $0x3  }
0x37: {  	[smem:$0x3FB4] =	sst s10  }
0x38: {  	s10 =	sld [smem:$0x3FB5]  }
0x39: {  	_ = 	snop;
	(pc) =	sbr.ind lr, $3  }
0x3a: {  	_ = 	snop  }
0x3b: {  	_ = 	snop  }
0x3c: {  	p2 =	seq.s32 s10, $0x1;
	s10 =	sld [smem:$0x3FB4]  }
0x3d: {  	_ =	shalt  }
0x3e: {  	_ =	shalt  }
0x3f: {  	_ =	shalt  }
0x40: {  	_ =	shalt  }
0x41: {  	_ =	shalt  }
0x42: {  	_ =	shalt  }
0x43: {  	_ =	shalt  }
0x44: {  	_ =	shalt  }
0x45: {  	_ =	shalt  }
0x46: {  	_ =	shalt  }
0x47: {  	_ =	shalt  }
0x48: {  	_ =	shalt  }
0x49: {  	_ =	shalt  }
0x4a: {  	_ =	shalt  }
0x4b: {  	_ =	shalt  }
0x4c: {  	_ =	shalt  }
0x4d: {  	_ =	shalt  }
0x4e: {  	_ =	shalt  }
0x4f: {  	_ =	shalt  }
0x50: {  	_ =	shalt  }
0x51: {  	_ =	shalt  }
0x52: {  	_ =	shalt  }
0x53: {  	_ =	shalt  }
0x54: {  	_ =	shalt  }
0x55: {  	_ =	shalt  }
0x56: {  	_ =	shalt  }
0x57: {  	_ =	shalt  }
0x58: {  	_ =	shalt  }
0x59: {  	_ =	shalt  }
0x5a: {  	_ =	shalt  }
0x5b: {  	_ =	shalt  }
0x5c: {  	_ =	shalt  }
0x5d: {  	_ =	shalt  }
0x5e: {  	_ =	shalt  }
0x5f: {  	_ =	shalt  }
0x60: {  	_ =	shalt  }
0x61: {  	_ =	shalt  }
0x62: {  	_ =	shalt  }
0x63: {  	_ =	shalt  }
0x64: {  	_ =	shalt  }
0x65: {  	_ =	shalt  }
0x66: {  	_ =	shalt  }
0x67: {  	_ =	shalt  }
0x68: {  	_ =	shalt  }
0x69: {  	_ =	shalt  }
0x6a: {  	_ =	shalt  }
0x6b: {  	_ =	shalt  }
0x6c: {  	_ =	shalt  }
0x6d: {  	_ =	shalt  }
0x6e: {  	_ =	shalt  }
0x6f: {  	_ =	shalt  }
0x70: {  	_ =	shalt  }
0x71: {  	_ =	shalt  }
0x72: {  	_ =	shalt  }
0x73: {  	_ =	shalt  }
0x74: {  	_ =	shalt  }
0x75: {  	_ =	shalt  }
0x76: {  	_ =	shalt  }
0x77: {  	_ =	shalt  }
0x78: {  	_ =	shalt  }
0x79: {  	_ =	shalt  }
0x7a: {  	_ =	shalt  }
0x7b: {  	_ =	shalt  }
0x7c: {  	_ =	shalt  }
0x7d: {  	_ =	shalt  }
0x7e: {  	_ =	shalt  }
0x7f: {  	_ =	shalt  }
0x80: {  	_ =	shalt  }
0x81: {  	_ =	shalt  }
0x82: {  	_ =	shalt  }
0x83: {  	_ =	shalt  }
0x84: {  	_ =	shalt  }
0x85: {  	_ =	shalt  }
0x86: {  	_ =	shalt  }
0x87: {  	_ =	shalt  }
.Lfunc_end0:
.L_simem_size_0:
called_computation.2_lowered:
.L_overlay_start_0:
0x88: {  	s2 =	sld [smem:$0x3FD9]  }
0x89: {  	s3 =	sld [smem:$0x3FFE];
	_ =	sdelay $0x1  }
0x8a: {  	s1 =	srdreg.scid  }
0x8b: {  	s0 =	sand.u32 $0x1, s1  }
0x8c: {  	s17 =	sshll.u32 s0, $0xA;
	s2 =	sadd.s32 s3, s2  }
0x8d: {  	s2 =	sadd.s32 s2, s17  }
0x8e: {  	[smem:$0x3FC0] =	sst s2  }
0x8f: {  	_ = 	snop  }
0x90: {  	s2 =	sld [smem:$0x3FD0];
	(tm) =	ssettm $0x1  }
0x91: {  	s18 =	sld [smem:$0x3FFB];
	_ =	sdelay $0x3  }
0x92: {  	_ =	strace s18  }
0x93: {  	s3 =	sld [smem:$0x3FFC];
	_ =	sdelay $0x3  }
0x94: {  	_ =	strace s3  }
0x95: {  	s3 =	sld [smem:$0x3FFD];
	_ =	sdelay $0x3  }
0x96: {  	_ =	strace s3  }
0x97: {  	_ =	strace $0x8FFFFFFF  }
0x98: {  	s19 =	sld [smem:$0x3FDB];
	_ =	sdelay $0x1  }
0x99: {  	s4 =	simm.s32 $_scs_section_size  }
0x9a: {  	s5 =	simm.s32 $_size__tile_overlayer_lowered;
	s6 =	simm.s32 $_tile_overlayer_lowered  }
0x9b: {  	s22 =	simm.s32 $0x1BFF;
	s21 =	sshll.u32 s6, $0x1;
	s3 =	sadd.s32 s4, s19  }
0x9c: {  	s7 =	simm.s32 $0x0;
	s20 =	sshll.u32 s5, $0x1;
	s5 =	sadd.s32 s21, s3  }
0x9d: {  	[timem:s7], [sflag:s22] =	dma.local [hbm:s5], s20  }
0x9e: {  	_ =	swait.ge [sflag:s22], s20  }
0x9f: {  	s4 =	ssub.s32 $0x0, s20;
	[sflag:s22] =	ssyncset.done $0x0  }
0xa0: {  	[sflag:s22] =	ssyncadd.s32 s4;
	_ =	sdelay $0x1  }
0xa1: {  	s23 =	simm.s32 $0x1B8B  }
0xa2: {  	_ =	swait.ge [sflag:s23], $0x1  }
0xa3: {  	[sflag:s23] =	ssyncset.done $0x0  }
0xa4: {  	s25 =	simm.s32 $0x1B8E;
	s24 =	sld [smem:$0x3FFE];
	[sflag:s23] =	ssyncadd.s32 $0xFFFFFFFF  }
0xa5: {  	s26 =	simm.s32 $execute0_lowered;
	[smem:$0x3FD2] =	sst s25  }
0xa6: {  	s5 =	sshll.u32 s26, $0x1;
	_ =	strace $0x8000004C;
	[dreg:$0x1] =	wrdreg $0xFFFFFFFF  }
0xa7: {  	s28 =	simm.s32 $_size_execute0_lowered;
	s3 =	sadd.s32 s3, s5;
	[dreg:$0x0] =	wrdreg $0x0  }
0xa8: {  	s5 =	sshll.u32 s28, $0x1;
	[dreg:$0x2] =	wrdreg s3  }
0xa9: {  	[dreg:$0x3] =	wrdreg s5  }
0xaa: {  	[dreg:$0x4] =	wrdreg $0xC0  }
0xab: {  	_ =	task [dreg:s7], $0x5FFFF  }
0xac: {  	[dreg:$0x1] =	wrdreg $0xFFFFFFFF  }
0xad: {  	[dreg:$0x0] =	wrdreg $0x60  }
0xae: {  	[dreg:$0x2] =	wrdreg s2  }
0xaf: {  	[dreg:$0x3] =	wrdreg s24  }
0xb0: {  	[dreg:$0x4] =	wrdreg $0xC0000  }
0xb1: {  	[dreg:$0x5] =	wrdreg $0x9  }
0xb2: {  	_ =	task.clear_ibuf [dreg:s7], $0x6FFFF;
	_ =	strace $0x9000004C  }
0xb3: {  	s29 =	simm.s32 $0x9;
	_ =	strace $0x8000004E  }
0xb4: {  	_ =	swait.ge [sflag:s29], $0x1  }
0xb5: {  	[sflag:s29] =	ssyncadd.s32 $0xFFFFFFFF  }
0xb6: {  	_ =	strace $0x9000004E  }
0xb7: {  	_ =	sfence  }
0xb8: {  	s30 =	sld [smem:$0x0];
	_ =	sdelay $0x2  }
0xb9: {  	s31 =	sshll.u32 s1, $0xD;
	s1 =	sshrl.u32 s1, $0x2  }
0xba: {  	s3 =	sand.u32 $0x4000, s31;
	s1 =	sadd.s32 s1, s30  }
0xbb: {  	s0 =	sor.u32 s3, s0;
	s1 =	sshll.u32 s1, $0x11  }
0xbc: {  	s0 =	sor.u32 s1, s0  }
0xbd: {  	s0 =	sadd.s32 $0x8F2B, s0  }
0xbe: {  	[sflag:s0] =	ssyncadd.remote.s32 $0x1  }
0xbf: {  	_ =	sfence.sel $0xFFFF  }
0xc0: {  	[dreg:$0x0] =	wrdreg $0xFFFFFFFF;
	(pc) =	sbr.abs _section_cstart, $3  }
0xc1: {  	[dreg:$0x1] =	wrdreg $0xFFFFFFFF  }
0xc2: {  	_ =	task.clear_ibuf [dreg:s7], $0x2FFFF;
	_ =	strace $0x9FFFFFFF  }
0xc3: {  	(tm) =	ssettm $0x7FFFFFFF  }
tec
execute0_lowered:
.L_overlay_start_1:
0x0: {  	(tag) =	ssettag $0x1  }
0x1: {  	s1 =	rddreg [dreg:$0x0]  }
0x2: {  	s6 =	rddreg [dreg:$0x1]  }
0x3: {  	s0 =	srdreg.scid;
	s3 =	rddreg [dreg:$0x2]  }
0x4: {  	s2 =	rddreg [dreg:$0x3];
	s4 =	simm.s32 $0x0;
	s5 =	sand.u32 $0x1, s0  }
0x5: {  	s14 =	simm.s32 $0x40;
	s0 =	stileid.u32;
	s7 =	smul.u32 $0x50000, s5  }
0x6: {  	s15 =	simm.s32 $0xA000;
	s16 =	simm.s32 $0x1;
	s8 =	smul.u32 $0x5000, s0  }
0x7: {  	s17 =	simm.s32 $0x0;
	[smem:$0x7FF] =	sst s4;
	s9 =	smul.u32 $0x13C000, s5  }
0x8: {  	s29 =	smul.u32 $0x13C00, s0;
	_ =	strace $0x8000004D;
	s30 =	ssub.s32 $0x2, s5  }
0x9: {  	s11 =	smul.u32 $0x4F000, s0;
	s5 =	sadd.s32 $0x17400, s6;
	s12 =	sshll.u32 s0, $0x6  }
0xa: {  	s10 =	sshrl.u32 s30, $0x1;
	s12 =	sor.u32 $0x1C02, s12;
	s7 =	sadd.s32 s8, s7  }
0xb: {  	s8 =	sadd.s32 s29, s9;
	s9 =	ssub.s32 s30, s10;
	s31 =	sshrl.u32 s11, $0x2  }
0xc: {  	s10 =	simm.s32 $0x2;
	s11 =	simm.s32 $0x5000;
	s7 =	sshrl.u32 s7, $0x3  }
0xd: {  	s8 =	sshrl.u32 s8, $0x3;
	s13 =	sadd.s32 s31, s3;
	s9 =	smax.u32 s9, $0x1  }
0xe: {  	s7 =	sadd.s32 s7, s6;
	s8 =	sadd.s32 s8, s6;
	s13 =	sshrl.u32 s13, $0x3  }
0xf: {  	s6 =	sadd.s32 $0x66400, s7;
	s7 =	sadd.s32 $0x3400, s7;
	s8 =	sadd.s32 $0x7A400, s8  }
.LBB2_1:
0x10: {  	[tilespmem:s4], [sflag:$0x2] =	stream.linear.gather [hbm4b:s6+s4], $0x5000, $0x38;
	[tilespmem:$0x1FC00] =	vst v63  }
0x11: {  	_ =	swait.ge [sflag:s10], $0x5000  }
0x12: {  	[sflag:s10] =	ssyncset.done $0x0  }
0x13: {  	[sflag:s10] =	ssyncadd.s32 $0xFFFFB000  }
0x14: {  	[tilespmem:s11], [sflag:$0x2] =	stream.linear.gather [hbm4b:s7+s4], $0x5000, $0x38;
	[tilespmem:$0x1FC00] =	vst v63  }
0x15: {  	_ =	swait.ge [sflag:s10], $0x5000  }
0x16: {  	[sflag:s10] =	ssyncset.done $0x0  }
0x17: {  	[sflag:s10] =	ssyncadd.s32 $0xFFFFB000  }
0x18: {  	[spmem:s13], [sflag:s12] =	dma.local [hbm:s5], $0x2780  }
0x19: {  	_ =	swait.ge [sflag:s10], $0x2780  }
0x1a: {  	[sflag:s10] =	ssyncset.done $0x0  }
0x1b: {  	[sflag:s10] =	ssyncadd.s32 $0xFFFFD880  }
0x1c: {  	s18 =	simm.s32 $0x0;
	[bflag:$0x0] =	sbarrier.arrive $0xFFFF  }
0x1d: {  	[tilespmem:s15], [sflag:$0x1] =	stream.indirect.gather [hbm4b:s1+s14], $0x80, s18, s14, $0xb8;
	[tilespmem:$0x1FC00] =	vst v63  }
0x1e: {  	_ =	swait.ge [sflag:s16], $0x2000  }
0x1f: {  	[sflag:s16] =	ssyncset.done $0x0  }
0x20: {  	s31 =	simm.s32 $0x5000;
	[sflag:s16] =	ssyncadd.s32 $0xFFFFE000  }
0x21: {  	[spmem:s3] =	stream.indirect.scatter.add.f32 [tilespmem:s15], [sflag:$0x2], $0x80, s31, s14, $0xb8;
	[tilespmem:$0x1FC00] =	vst v63  }
0x22: {  	_ =	swait.ge [sflag:s10], $0x2000  }
0x23: {  	s19 =	simm.s32 $0x400;
	s18 =	simm.s32 $0x200;
	[sflag:s10] =	ssyncset.done $0x0  }
.LBB2_2:
0x24: {  	s20 =	sshra.s32 s18, $0x2  }
0x25: {  	[sflag:s10] =	ssyncadd.s32 $0xFFFFE000;
	s18 =	smov.u32 s19;
	s21 =	sadd.s32 $0x200, s19  }
0x26: {  	[tilespmem:s15], [sflag:$0x1] =	stream.indirect.gather [hbm4b:s1+s14], $0x80, s20, s14, $0xb8;
	[tilespmem:$0x1FC00] =	vst v63  }
0x27: {  	p0 =	sne.s32 s19, $0x13E00;
	_ =	swait.ge [sflag:s16], $0x2000  }
.Ltmp0:
0x28: {  	[sflag:s16] =	ssyncset.done $0x0;
	(pc) =	sbr.rel @p0 .LBB2_2-.Ltmp0, $4  }
0x29: {  	s19 =	sadd.s32 $0x5000, s20;
	[sflag:s16] =	ssyncadd.s32 $0xFFFFE000  }
0x2a: {  	[spmem:s3] =	stream.indirect.scatter.add.f32 [tilespmem:s15], [sflag:$0x2], $0x80, s19, s14, $0xb8;
	[tilespmem:$0x1FC00] =	vst v63  }
0x2b: {  	_ =	swait.ge [sflag:s10], $0x2000  }
0x2c: {  	s19 =	smov.u32 s21;
	[sflag:s10] =	ssyncset.done $0x0  }
0x2d: {  	s18 =	sshra.s32 s18, $0x2;
	[sflag:s10] =	ssyncadd.s32 $0xFFFFE000  }
0x2e: {  	[tilespmem:s15], [sflag:$0x1] =	stream.indirect.gather [hbm4b:s1+s14], $0x80, s18, s14, $0xb8;
	[tilespmem:$0x1FC00] =	vst v63  }
0x2f: {  	_ =	swait.ge [sflag:s16], $0x2000  }
0x30: {  	[sflag:s16] =	ssyncset.done $0x0  }
0x31: {  	s18 =	sadd.s32 $0x5000, s18;
	[sflag:s16] =	ssyncadd.s32 $0xFFFFE000  }
0x32: {  	[spmem:s3] =	stream.indirect.scatter.add.f32 [tilespmem:s15], [sflag:$0x2], $0x80, s18, s14, $0xb8;
	[tilespmem:$0x1FC00] =	vst v63  }
0x33: {  	_ =	swait.ge [sflag:s10], $0x2000  }
0x34: {  	s17 =	sadd.s32 $0x1, s17;
	[sflag:s10] =	ssyncset.done $0x0  }
0x35: {  	p0 =	sne.s32 s17, s9;
	[sflag:s10] =	ssyncadd.s32 $0xFFFFE000  }
.Ltmp1:
0x36: {  	[bflag:$0x0] =	sbarrier.arrive $0xFFFF;
	(pc) =	sbr.rel @p0 .LBB2_1-.Ltmp1, $4  }
0x37: {  	[hbm:s8], [sflag:s12] =	dma.local [spmem:s13], $0x2780  }
0x38: {  	_ =	swait.ge [sflag:s10], $0x2780  }
0x39: {  	[sflag:s10] =	ssyncset.done $0x0  }
0x3a: {  	[sflag:s10] =	ssyncadd.s32 $0xFFFFD880  }
0x3b: {  	_ =	sfence.sel $0x180000  }
0x3c: {  	[bflag:$0x0] =	sbarrier.arrive $0xFFFF  }
0x3d: {  	p0 =	sne.s32 s0, $0x0;
	_ =	strace $0x9000004D  }
0x3e: {  	s0 =	sadd.s32 @!p0 $0x100000, s2;
	[bflag:$0x2] =	sbarrier.arrive $0xFFFF  }
0x3f: {  	[sflag:s0] =	ssyncadd.tile.s32 @!p0 $0x1;
	_ =	shalt  }
.Lfunc_end2:
_tile_overlayer_lowered:
.L_overlay_start_2:
0x40: {  	(tag) =	ssettag $0x2  }
0x41: {  	s0 =	rddreg [dreg:$0x0];
	s2 =	stileid.u32  }
0x42: {  	s1 =	rddreg [dreg:$0x1];
	p0 =	sne.s32 s2, $0x0  }
0x43: {  	s3 =	rddreg [dreg:$0x2];
	[bflag:$0x3] =	sbarrier.arrive $0xFFFF;
	s2 =	simm.s32 @!p0 $0x1C02  }
0x44: {  	[timem:s3], [sflag:s2] =	dma.local @!p0 [hbm:s0], s1  }
0x45: {  	s0 =	simm.s32 @!p0 $0x2  }
0x46: {  	_ =	swait.ge @!p0 [sflag:s0], s1  }
0x47: {  	s1 =	ssub.s32 @!p0 $0x0, s1;
	[sflag:s0] =	ssyncset.done @!p0 $0x0  }
0x48: {  	[sflag:s0] =	ssyncadd.s32 @!p0 s1  }
0x49: {  	[bflag:$0x3] =	sbarrier.arrive $0xFFFF  }
0x4a: {  	_ =	shalt  }

// kernel: kernel.19.cloned.1.call-start
scs
__scs_entry_jumppad:
0x0: {  	(pc) =	sbr.rel $0x88, $3  }
0x1: {  	(tag) =	ssettag $0x0;
	lr =	simm.s32 $0x1  }
0x2: {  	[smem:$0x3F99] =	sst lr;
	_ =	strace $0xD0000000  }
0x3: {  	_ = 	snop  }
0x4: {  	_ = 	snop  }
0x5: {  	_ = 	snop  }
0x6: {  	_ = 	snop  }
0x7: {  	_ = 	snop  }
__scs_overlays_trampoline_lowered:
0x8: {  	[smem:$0x3FA8] =	sst s0  }
0x9: {  	[smem:$0x3FA9] =	sst s1  }
0xa: {  	[smem:$0x3FAA] =	sst s2  }
0xb: {  	[smem:$0x3FAB] =	sst s3  }
0xc: {  	[smem:$0x3FAC] =	sst s4  }
0xd: {  	[smem:$0x3FAD] =	sst s5  }
0xe: {  	[smem:$0x3FAE] =	sst s6  }
0xf: {  	[smem:$0x3FAF] =	sst s7  }
0x10: {  	[smem:$0x3FB0] =	sst s8  }
0x11: {  	[smem:$0x3FB1] =	sst s9;
	s0 =	simm.s32 @!p0 $0x0  }
0x12: {  	s1 =	sld [smem:$0x3F97];
	s0 =	simm.s32 @p0 $0x1  }
0x13: {  	[smem:$0x3FB2] =	sst s0;
	s0 =	simm.s32 @!p1 $0x0  }
0x14: {  	s2 =	sld [smem:$0x3F96];
	s0 =	simm.s32 @p1 $0x1  }
0x15: {  	[smem:$0x3FB3] =	sst s0;
	s0 =	simm.s32 @!p2 $0x0  }
0x16: {  	s3 =	sld [smem:$0x3FDB];
	s0 =	simm.s32 @p2 $0x1  }
0x17: {  	s4 =	simm.s32 $0x1BF5;
	[smem:$0x3FB5] =	sst s0  }
0x18: {  	s0 =	sld [smem:$0x3F98];
	_ =	swait.ge [sflag:s4], $0x0  }
0x19: {  	s7 =	sld [smem:$0x3F99]  }
0x1a: {  	s8 =	sadd.s32 $0xFFFFE003, lr  }
0x1b: {  	s9 =	sadd.s32 $0xFFFFFEF7, lr;
	s5 =	simm.s32 $0xFFFFFFFF;
	p2 =	slt.u32 s8, $0xFFFFF086  }
0x1c: {  	p1 =	slt.u32 s9, $0xF7A;
	s5 =	simm.s32 @!p2 $0x0  }
0x1d: {  	s5 =	simm.s32 @p1 $0x1;
	p0 =	seq.s32 s7, s2  }
0x1e: {  	s7 =	smul.u32 @!p0 $0xF7A, s2;
	p2 =	seq.s32 @!p0 s5, $0x0  }
0x1f: {  	s9 =	smul.u32 $0xF7A, s1;
	s8 =	simm.s32 @!p0 $0x1BF5;
	p2 =	por !p2, p0  }
0x20: {  	[sflag:s8] =	ssyncset.s32 @!p0 $0xFFFFF086;
	s6 =	sadd.s32 @!p0 s3, s7;
	s7 =	simm.s32 @!p0 $0x108  }
0x21: {  	s3 =	sadd.s32 s3, s9;
	s6 =	sadd.s32 @!p0 $0x88, s6;
	s7 =	simm.s32 @p2 $0x1082  }
0x22: {  	[simem:s7], [sflag:s8] =	dma.local @!p0 [hbm:s6], $0xF7A  }
0x23: {  	s9 =	sor.u32 $0xD0000000, s2;
	s6 =	simm.s32 $0x108;
	_ =	swait.ge @!p0 [sflag:s8], $0x0  }
0x24: {  	s3 =	sadd.s32 $0x88, s3;
	s6 =	simm.s32 @!p1 $0x1082;
	[sflag:s4] =	ssyncset.s32 $0xFFFFF086  }
0x25: {  	[simem:s6], [sflag:s4] =	dma.local [hbm:s3], $0xF7A  }
0x26: {  	[smem:$0x3F99] =	sst s1;
	(tag) =	ssettag s2;
	_ =	strace s9  }
0x27: {  	s1 =	sld [smem:$0x3FA9]  }
0x28: {  	s2 =	sld [smem:$0x3FAA]  }
0x29: {  	s4 =	sld [smem:$0x3FAC]  }
0x2a: {  	p0 =	seq.s32 s5, $0x0;
	s5 =	sld [smem:$0x3FAD]  }
0x2b: {  	s6 =	sld [smem:$0x3FAE]  }
0x2c: {  	s7 =	sld [smem:$0x3FAF]  }
0x2d: {  	s3 =	simm.s32 $0x108;
	s8 =	sld [smem:$0x3FB0]  }
0x2e: {  	s3 =	simm.s32 @!p0 $0x1082;
	s9 =	sld [smem:$0x3FB1]  }
0x2f: {  	lr =	sadd.s32 s0, s3;
	s0 =	sld [smem:$0x3FA8]  }
0x30: {  	s3 =	sld [smem:$0x3FAB]  }
0x31: {  	[smem:$0x3FB4] =	sst s10  }
0x32: {  	s10 =	sld [smem:$0x3FB2];
	_ =	sdelay $0x3  }
0x33: {  	p0 =	seq.s32 s10, $0x1;
	s10 =	sld [smem:$0x3FB4];
	_ =	sdelay $0x3  }
0x34: {  	[smem:$0x3FB4] =	sst s10  }
0x35: {  	s10 =	sld [smem:$0x3FB3];
	_ =	sdelay $0x3  }
0x36: {  	p1 =	seq.s32 s10, $0x1;
	s10 =	sld [smem:$0x3FB4];
	_ =	sdelay $0x3  }
0x37: {  	[smem:$0x3FB4] =	sst s10  }
0x38: {  	s10 =	sld [smem:$0x3FB5]  }
0x39: {  	_ = 	snop;
	(pc) =	sbr.ind lr, $3  }
0x3a: {  	_ = 	snop  }
0x3b: {  	_ = 	snop  }
0x3c: {  	p2 =	seq.s32 s10, $0x1;
	s10 =	sld [smem:$0x3FB4]  }
0x3d: {  	_ =	shalt  }
0x3e: {  	_ =	shalt  }
0x3f: {  	_ =	shalt  }
0x40: {  	_ =	shalt  }
0x41: {  	_ =	shalt  }
0x42: {  	_ =	shalt  }
0x43: {  	_ =	shalt  }
0x44: {  	_ =	shalt  }
0x45: {  	_ =	shalt  }
0x46: {  	_ =	shalt  }
0x47: {  	_ =	shalt  }
0x48: {  	_ =	shalt  }
0x49: {  	_ =	shalt  }
0x4a: {  	_ =	shalt  }
0x4b: {  	_ =	shalt  }
0x4c: {  	_ =	shalt  }
0x4d: {  	_ =	shalt  }
0x4e: {  	_ =	shalt  }
0x4f: {  	_ =	shalt  }
0x50: {  	_ =	shalt  }
0x51: {  	_ =	shalt  }
0x52: {  	_ =	shalt  }
0x53: {  	_ =	shalt  }
0x54: {  	_ =	shalt  }
0x55: {  	_ =	shalt  }
0x56: {  	_ =	shalt  }
0x57: {  	_ =	shalt  }
0x58: {  	_ =	shalt  }
0x59: {  	_ =	shalt  }
0x5a: {  	_ =	shalt  }
0x5b: {  	_ =	shalt  }
0x5c: {  	_ =	shalt  }
0x5d: {  	_ =	shalt  }
0x5e: {  	_ =	shalt  }
0x5f: {  	_ =	shalt  }
0x60: {  	_ =	shalt  }
0x61: {  	_ =	shalt  }
0x62: {  	_ =	shalt  }
0x63: {  	_ =	shalt  }
0x64: {  	_ =	shalt  }
0x65: {  	_ =	shalt  }
0x66: {  	_ =	shalt  }
0x67: {  	_ =	shalt  }
0x68: {  	_ =	shalt  }
0x69: {  	_ =	shalt  }
0x6a: {  	_ =	shalt  }
0x6b: {  	_ =	shalt  }
0x6c: {  	_ =	shalt  }
0x6d: {  	_ =	shalt  }
0x6e: {  	_ =	shalt  }
0x6f: {  	_ =	shalt  }
0x70: {  	_ =	shalt  }
0x71: {  	_ =	shalt  }
0x72: {  	_ =	shalt  }
0x73: {  	_ =	shalt  }
0x74: {  	_ =	shalt  }
0x75: {  	_ =	shalt  }
0x76: {  	_ =	shalt  }
0x77: {  	_ =	shalt  }
0x78: {  	_ =	shalt  }
0x79: {  	_ =	shalt  }
0x7a: {  	_ =	shalt  }
0x7b: {  	_ =	shalt  }
0x7c: {  	_ =	shalt  }
0x7d: {  	_ =	shalt  }
0x7e: {  	_ =	shalt  }
0x7f: {  	_ =	shalt  }
0x80: {  	_ =	shalt  }
0x81: {  	_ =	shalt  }
0x82: {  	_ =	shalt  }
0x83: {  	_ =	shalt  }
0x84: {  	_ =	shalt  }
0x85: {  	_ =	shalt  }
0x86: {  	_ =	shalt  }
0x87: {  	_ =	shalt  }
.Lfunc_end0:
.L_simem_size_0:
called_computation.3_lowered:
.L_overlay_start_0:
0x88: {  	s2 =	sld [smem:$0x3FD9]  }
0x89: {  	s3 =	sld [smem:$0x3FFE];
	_ =	sdelay $0x1  }
0x8a: {  	s1 =	srdreg.scid  }
0x8b: {  	s0 =	sand.u32 $0x1, s1  }
0x8c: {  	s17 =	sshll.u32 s0, $0xA;
	s2 =	sadd.s32 s3, s2  }
0x8d: {  	s2 =	sadd.s32 s2, s17  }
0x8e: {  	[smem:$0x3FC0] =	sst s2  }
0x8f: {  	_ = 	snop  }
0x90: {  	s2 =	sld [smem:$0x3FD0];
	(tm) =	ssettm $0x1  }
0x91: {  	s18 =	sld [smem:$0x3FFB];
	_ =	sdelay $0x3  }
0x92: {  	_ =	strace s18  }
0x93: {  	s3 =	sld [smem:$0x3FFC];
	_ =	sdelay $0x3  }
0x94: {  	_ =	strace s3  }
0x95: {  	s3 =	sld [smem:$0x3FFD];
	_ =	sdelay $0x3  }
0x96: {  	_ =	strace s3  }
0x97: {  	_ =	strace $0x8FFFFFFF  }
0x98: {  	s19 =	sld [smem:$0x3FDB];
	_ =	sdelay $0x1  }
0x99: {  	s4 =	simm.s32 $_scs_section_size  }
0x9a: {  	s5 =	simm.s32 $_size__tile_overlayer_lowered;
	s6 =	simm.s32 $_tile_overlayer_lowered  }
0x9b: {  	s22 =	simm.s32 $0x1BFF;
	s21 =	sshll.u32 s6, $0x1;
	s3 =	sadd.s32 s4, s19  }
0x9c: {  	s7 =	simm.s32 $0x0;
	s20 =	sshll.u32 s5, $0x1;
	s5 =	sadd.s32 s21, s3  }
0x9d: {  	[timem:s7], [sflag:s22] =	dma.local [hbm:s5], s20  }
0x9e: {  	_ =	swait.ge [sflag:s22], s20  }
0x9f: {  	s4 =	ssub.s32 $0x0, s20;
	[sflag:s22] =	ssyncset.done $0x0  }
0xa0: {  	[sflag:s22] =	ssyncadd.s32 s4;
	_ =	sdelay $0x1  }
0xa1: {  	s23 =	simm.s32 $0x1B8B  }
0xa2: {  	_ =	swait.ge [sflag:s23], $0x1  }
0xa3: {  	[sflag:s23] =	ssyncset.done $0x0  }
0xa4: {  	s25 =	simm.s32 $0x1B8E;
	s24 =	sld [smem:$0x3FFE];
	[sflag:s23] =	ssyncadd.s32 $0xFFFFFFFF  }
0xa5: {  	s26 =	simm.s32 $execute0_lowered;
	[smem:$0x3FD2] =	sst s25  }
0xa6: {  	s5 =	sshll.u32 s26, $0x1;
	_ =	strace $0x8000004F;
	[dreg:$0x1] =	wrdreg $0xFFFFFFFF  }
0xa7: {  	s28 =	simm.s32 $_size_execute0_lowered;
	s3 =	sadd.s32 s3, s5;
	[dreg:$0x0] =	wrdreg $0x0  }
0xa8: {  	s5 =	sshll.u32 s28, $0x1;
	[dreg:$0x2] =	wrdreg s3  }
0xa9: {  	[dreg:$0x3] =	wrdreg s5  }
0xaa: {  	[dreg:$0x4] =	wrdreg $0xC0  }
0xab: {  	_ =	task [dreg:s7], $0x5FFFF  }
0xac: {  	[dreg:$0x1] =	wrdreg $0xFFFFFFFF  }
0xad: {  	[dreg:$0x0] =	wrdreg $0x60  }
0xae: {  	[dreg:$0x2] =	wrdreg s2  }
0xaf: {  	[dreg:$0x3] =	wrdreg s24  }
0xb0: {  	[dreg:$0x4] =	wrdreg $0xC0000  }
0xb1: {  	[dreg:$0x5] =	wrdreg $0x9  }
0xb2: {  	_ =	task.clear_ibuf [dreg:s7], $0x6FFFF;
	_ =	strace $0x9000004F  }
0xb3: {  	s29 =	simm.s32 $0x9;
	_ =	strace $0x80000051  }
0xb4: {  	_ =	swait.ge [sflag:s29], $0x1  }
0xb5: {  	[sflag:s29] =	ssyncadd.s32 $0xFFFFFFFF  }
0xb6: {  	_ =	strace $0x90000051  }
0xb7: {  	_ =	sfence  }
0xb8: {  	s30 =	sld [smem:$0x0];
	_ =	sdelay $0x2  }
0xb9: {  	s31 =	sshll.u32 s1, $0xD;
	s1 =	sshrl.u32 s1, $0x2  }
0xba: {  	s3 =	sand.u32 $0x4000, s31;
	s1 =	sadd.s32 s1, s30  }
0xbb: {  	s0 =	sor.u32 s3, s0;
	s1 =	sshll.u32 s1, $0x11  }
0xbc: {  	s0 =	sor.u32 s1, s0  }
0xbd: {  	s0 =	sadd.s32 $0x8F2B, s0  }
0xbe: {  	[sflag:s0] =	ssyncadd.remote.s32 $0x1  }
0xbf: {  	_ =	sfence.sel $0xFFFF  }
0xc0: {  	[dreg:$0x0] =	wrdreg $0xFFFFFFFF;
	(pc) =	sbr.abs _section_cstart, $3  }
0xc1: {  	[dreg:$0x1] =	wrdreg $0xFFFFFFFF  }
0xc2: {  	_ =	task.clear_ibuf [dreg:s7], $0x2FFFF;
	_ =	strace $0x9FFFFFFF  }
0xc3: {  	(tm) =	ssettm $0x7FFFFFFF  }
tec
execute0_lowered:
.L_overlay_start_1:
0x0: {  	(tag) =	ssettag $0x1  }
0x1: {  	s1 =	rddreg [dreg:$0x0]  }
0x2: {  	s6 =	rddreg [dreg:$0x1]  }
0x3: {  	s0 =	srdreg.scid;
	s3 =	rddreg [dreg:$0x2]  }
0x4: {  	s2 =	rddreg [dreg:$0x3];
	s4 =	simm.s32 $0x0;
	s5 =	sand.u32 $0x1, s0  }
0x5: {  	s14 =	simm.s32 $0x40;
	s0 =	stileid.u32;
	s7 =	smul.u32 $0x50000, s5  }
0x6: {  	s15 =	simm.s32 $0xA000;
	s16 =	simm.s32 $0x1;
	s8 =	smul.u32 $0x5000, s0  }
0x7: {  	s17 =	simm.s32 $0x0;
	[smem:$0x7FF] =	sst s4;
	s9 =	smul.u32 $0x13C000, s5  }
0x8: {  	s29 =	smul.u32 $0x13C00, s0;
	_ =	strace $0x80000050;
	s30 =	ssub.s32 $0x2, s5  }
0x9: {  	s11 =	smul.u32 $0x4F000, s0;
	s5 =	sadd.s32 $0x17400, s6;
	s12 =	sshll.u32 s0, $0x6  }
0xa: {  	s10 =	sshrl.u32 s30, $0x1;
	s12 =	sor.u32 $0x1C02, s12;
	s7 =	sadd.s32 s8, s7  }
0xb: {  	s8 =	sadd.s32 s29, s9;
	s9 =	ssub.s32 s30, s10;
	s31 =	sshrl.u32 s11, $0x2  }
0xc: {  	s10 =	simm.s32 $0x2;
	s11 =	simm.s32 $0x5000;
	s7 =	sshrl.u32 s7, $0x3  }
0xd: {  	s8 =	sshrl.u32 s8, $0x3;
	s13 =	sadd.s32 s31, s3;
	s9 =	smax.u32 s9, $0x1  }
0xe: {  	s7 =	sadd.s32 s7, s6;
	s8 =	sadd.s32 s8, s6;
	s13 =	sshrl.u32 s13, $0x3  }
0xf: {  	s6 =	sadd.s32 $0x66400, s7;
	s7 =	sadd.s32 $0x3400, s7;
	s8 =	sadd.s32 $0x7A400, s8  }
.LBB2_1:
0x10: {  	[tilespmem:s4], [sflag:$0x2] =	stream.linear.gather [hbm4b:s6+s4], $0x5000, $0x38;
	[tilespmem:$0x1FC00] =	vst v63  }
0x11: {  	_ =	swait.ge [sflag:s10], $0x5000  }
0x12: {  	[sflag:s10] =	ssyncset.done $0x0  }
0x13: {  	[sflag:s10] =	ssyncadd.s32 $0xFFFFB000  }
0x14: {  	[tilespmem:s11], [sflag:$0x2] =	stream.linear.gather [hbm4b:s7+s4], $0x5000, $0x38;
	[tilespmem:$0x1FC00] =	vst v63  }
0x15: {  	_ =	swait.ge [sflag:s10], $0x5000  }
0x16: {  	[sflag:s10] =	ssyncset.done $0x0  }
0x17: {  	[sflag:s10] =	ssyncadd.s32 $0xFFFFB000  }
0x18: {  	[spmem:s13], [sflag:s12] =	dma.local [hbm:s5], $0x2780  }
0x19: {  	_ =	swait.ge [sflag:s10], $0x2780  }
0x1a: {  	[sflag:s10] =	ssyncset.done $0x0  }
0x1b: {  	[sflag:s10] =	ssyncadd.s32 $0xFFFFD880  }
0x1c: {  	s18 =	simm.s32 $0x0;
	[bflag:$0x0] =	sbarrier.arrive $0xFFFF  }
0x1d: {  	[tilespmem:s15], [sflag:$0x1] =	stream.indirect.gather [hbm4b:s1+s14], $0x80, s18, s14, $0xb8;
	[tilespmem:$0x1FC00] =	vst v63  }
0x1e: {  	_ =	swait.ge [sflag:s16], $0x2000  }
0x1f: {  	[sflag:s16] =	ssyncset.done $0x0  }
0x20: {  	s31 =	simm.s32 $0x5000;
	[sflag:s16] =	ssyncadd.s32 $0xFFFFE000  }
0x21: {  	[spmem:s3] =	stream.indirect.scatter.add.f32 [tilespmem:s15], [sflag:$0x2], $0x80, s31, s14, $0xb8;
	[tilespmem:$0x1FC00] =	vst v63  }
0x22: {  	_ =	swait.ge [sflag:s10], $0x2000  }
0x23: {  	s19 =	simm.s32 $0x400;
	s18 =	simm.s32 $0x200;
	[sflag:s10] =	ssyncset.done $0x0  }
.LBB2_2:
0x24: {  	s20 =	sshra.s32 s18, $0x2  }
0x25: {  	[sflag:s10] =	ssyncadd.s32 $0xFFFFE000;
	s18 =	smov.u32 s19;
	s21 =	sadd.s32 $0x200, s19  }
0x26: {  	[tilespmem:s15], [sflag:$0x1] =	stream.indirect.gather [hbm4b:s1+s14], $0x80, s20, s14, $0xb8;
	[tilespmem:$0x1FC00] =	vst v63  }
0x27: {  	p0 =	sne.s32 s19, $0x13E00;
	_ =	swait.ge [sflag:s16], $0x2000  }
.Ltmp0:
0x28: {  	[sflag:s16] =	ssyncset.done $0x0;
	(pc) =	sbr.rel @p0 .LBB2_2-.Ltmp0, $4  }
0x29: {  	s19 =	sadd.s32 $0x5000, s20;
	[sflag:s16] =	ssyncadd.s32 $0xFFFFE000  }
0x2a: {  	[spmem:s3] =	stream.indirect.scatter.add.f32 [tilespmem:s15], [sflag:$0x2], $0x80, s19, s14, $0xb8;
	[tilespmem:$0x1FC00] =	vst v63  }
0x2b: {  	_ =	swait.ge [sflag:s10], $0x2000  }
0x2c: {  	s19 =	smov.u32 s21;
	[sflag:s10] =	ssyncset.done $0x0  }
0x2d: {  	s18 =	sshra.s32 s18, $0x2;
	[sflag:s10] =	ssyncadd.s32 $0xFFFFE000  }
0x2e: {  	[tilespmem:s15], [sflag:$0x1] =	stream.indirect.gather [hbm4b:s1+s14], $0x80, s18, s14, $0xb8;
	[tilespmem:$0x1FC00] =	vst v63  }
0x2f: {  	_ =	swait.ge [sflag:s16], $0x2000  }
0x30: {  	[sflag:s16] =	ssyncset.done $0x0  }
0x31: {  	s18 =	sadd.s32 $0x5000, s18;
	[sflag:s16] =	ssyncadd.s32 $0xFFFFE000  }
0x32: {  	[spmem:s3] =	stream.indirect.scatter.add.f32 [tilespmem:s15], [sflag:$0x2], $0x80, s18, s14, $0xb8;
	[tilespmem:$0x1FC00] =	vst v63  }
0x33: {  	_ =	swait.ge [sflag:s10], $0x2000  }
0x34: {  	s17 =	sadd.s32 $0x1, s17;
	[sflag:s10] =	ssyncset.done $0x0  }
0x35: {  	p0 =	sne.s32 s17, s9;
	[sflag:s10] =	ssyncadd.s32 $0xFFFFE000  }
.Ltmp1:
0x36: {  	[bflag:$0x0] =	sbarrier.arrive $0xFFFF;
	(pc) =	sbr.rel @p0 .LBB2_1-.Ltmp1, $4  }
0x37: {  	[hbm:s8], [sflag:s12] =	dma.local [spmem:s13], $0x2780  }
0x38: {  	_ =	swait.ge [sflag:s10], $0x2780  }
0x39: {  	[sflag:s10] =	ssyncset.done $0x0  }
0x3a: {  	[sflag:s10] =	ssyncadd.s32 $0xFFFFD880  }
0x3b: {  	_ =	sfence.sel $0x180000  }
0x3c: {  	[bflag:$0x0] =	sbarrier.arrive $0xFFFF  }
0x3d: {  	p0 =	sne.s32 s0, $0x0;
	_ =	strace $0x90000050  }
0x3e: {  	s0 =	sadd.s32 @!p0 $0x100000, s2;
	[bflag:$0x2] =	sbarrier.arrive $0xFFFF  }
0x3f: {  	[sflag:s0] =	ssyncadd.tile.s32 @!p0 $0x1;
	_ =	shalt  }
.Lfunc_end2:
_tile_overlayer_lowered:
.L_overlay_start_2:
0x40: {  	(tag) =	ssettag $0x2  }
0x41: {  	s0 =	rddreg [dreg:$0x0];
	s2 =	stileid.u32  }
0x42: {  	s1 =	rddreg [dreg:$0x1];
	p0 =	sne.s32 s2, $0x0  }
0x43: {  	s3 =	rddreg [dreg:$0x2];
	[bflag:$0x3] =	sbarrier.arrive $0xFFFF;
	s2 =	simm.s32 @!p0 $0x1C02  }
0x44: {  	[timem:s3], [sflag:s2] =	dma.local @!p0 [hbm:s0], s1  }
0x45: {  	s0 =	simm.s32 @!p0 $0x2  }
0x46: {  	_ =	swait.ge @!p0 [sflag:s0], s1  }
0x47: {  	s1 =	ssub.s32 @!p0 $0x0, s1;
	[sflag:s0] =	ssyncset.done @!p0 $0x0  }
0x48: {  	[sflag:s0] =	ssyncadd.s32 @!p0 s1  }
0x49: {  	[bflag:$0x3] =	sbarrier.arrive $0xFFFF  }
0x4a: {  	_ =	shalt  }

</sc_bundles>
